<compile_context>
chip_gen: v7x
topology: tpu7x:2x2x1
jax: 0.10.2.dev20260603
libtpu: 0.0.44.dev20260713+nightly
codegen_flags: <defaults>
</compile_context>

<pallas_src>
import numpy as np
import jax
import jax.numpy as jnp
from jax import lax
from jax.experimental import pallas as pl
from jax.experimental.pallas import tpu as pltpu
from jax.experimental.pallas import tpu_sc as plsc

_B, _L, _D = 16384, 200, 32
_N = _B * _L
_NW = 32
_PER_W = _N // _NW
_C = 4096
_CHUNKS = _PER_W // _C
_LANES = 16

_BINS = np.linspace(-3.15, 3.15, 64).astype(np.float32)
_FMAX = np.finfo(np.float32).max
_EBHI = np.concatenate([_BINS, [_FMAX] * 64]).astype(np.float32)
_EBLO = np.concatenate([[-_FMAX], _BINS, [_FMAX] * 63]).astype(np.float32)
_LO = np.float32(_BINS[0])
_INV = np.float32(1.0 / ((3.15 - (-3.15)) / 63))


def _sc_body(x_hbm, eblo_hbm, ebhi_hbm, idx_hbm, x_v, idx_v, eblo_v, ebhi_v):
    wid = lax.axis_index("s") * 2 + lax.axis_index("c")
    base = wid * _PER_W

    pltpu.sync_copy(eblo_hbm, eblo_v)
    pltpu.sync_copy(ebhi_hbm, ebhi_v)

    def chunk_body(ci, carry):
        off = base + ci * _C
        pltpu.sync_copy(x_hbm.at[pl.ds(off, _C)], x_v)

        def vec_body(i, c2):
            xv = x_v[pl.ds(i * _LANES, _LANES)]
            p = (xv - _LO) * _INV
            p = jnp.clip(p, -100.0, 100.0)
            te = jnp.clip(p.astype(jnp.int32) + 1, 0, 64)
            bhi = plsc.load_gather(ebhi_v, [te])
            blo = plsc.load_gather(eblo_v, [te])
            t = te + (xv >= bhi).astype(jnp.int32) - (xv < blo).astype(jnp.int32)
            idx = jnp.clip(t, 1, 64)
            idx = jnp.where(xv != xv, 0, idx)
            idx_v[pl.ds(i * _LANES, _LANES)] = idx
            return c2

        lax.fori_loop(0, _C // _LANES, vec_body, 0)
        pltpu.sync_copy(idx_v, idx_hbm.at[pl.ds(off, _C)])
        return carry

    lax.fori_loop(0, _CHUNKS, chunk_body, 0)


_KPAD = 72
_LB = 25
_BB = 2048


def _tc_body(idx_ref, tab_ref, out_ref):
    idxt = idx_ref[...].reshape(_LB, _BB)
    tab = tab_ref[...]
    kio = lax.broadcasted_iota(jnp.int32, (_KPAD, _BB), 0)
    dn = (((0,), (0,)), ((), ()))
    for l in range(_LB):
        row = lax.slice(idxt, (l, 0), (l + 1, _BB))
        oh = (jnp.broadcast_to(row, (_KPAD, _BB)) == kio).astype(jnp.float32)
        res = lax.dot_general(tab, oh, dn,
                              preferred_element_type=jnp.float32)
        out_ref[l, :, :] = res


@jax.jit
def kernel(x, table):
    mesh = plsc.VectorSubcoreMesh(core_axis_name="c", subcore_axis_name="s")
    sc_call = pl.kernel(
        _sc_body,
        out_type=jax.ShapeDtypeStruct((_N,), jnp.int32),
        mesh=mesh,
        compiler_params=pltpu.CompilerParams(
            needs_layout_passes=False, use_tc_tiling_on_sc=False),
        scratch_types=[
            pltpu.VMEM((_C,), jnp.float32),
            pltpu.VMEM((_C,), jnp.int32),
            pltpu.VMEM((128,), jnp.float32),
            pltpu.VMEM((128,), jnp.float32),
        ],
    )
    idx = sc_call(x.reshape(_N), jnp.asarray(_EBLO), jnp.asarray(_EBHI))

    table_pad = jnp.zeros((_KPAD, _D), jnp.float32).at[:65].set(table)
    tc_call = pl.pallas_call(
        _tc_body,
        grid=(_L // _LB, _B // _BB),
        in_specs=[
            pl.BlockSpec((1, _LB, _BB), lambda i, j: (i, 0, j)),
            pl.BlockSpec((_KPAD, _D), lambda i, j: (0, 0)),
        ],
        out_specs=pl.BlockSpec((_LB, _D, _BB), lambda i, j: (i, 0, j)),
        out_shape=jax.ShapeDtypeStruct((_L, _D, _B), jnp.float32),
    )
    idx_t = jnp.transpose(idx.reshape(_B, _L)).reshape(_L // _LB, _LB, _B)
    out_t = tc_call(idx_t, table_pad)
    return lax.transpose(out_t, (2, 0, 1))

# --- scband reference (transcript-rebuilt; emitter-appended) ---
"""Pipeline reference for scband-bin-embedding-73495480369696 (READ-ONLY COPY).

The authoritative reference and input builder live on the scoring server;
editing this copy changes nothing except your own understanding.
"""

import jax, jax.numpy as jnp
import numpy as np

BINS = jnp.asarray(np.linspace(-3.15, 3.15, 64), dtype=jnp.float32)


def setup_inputs(seed: int = 0) -> dict:
    key = jax.random.key(seed)
    k1, k2 = jax.random.split(key)
    x = jax.random.normal(k1, (16384, 200), dtype=jnp.float32)
    # nn.Embedding(len(bins)+1, embedding_dim) -> (65, 32), default N(0,1) init
    table = jax.random.normal(k2, (65, 32), dtype=jnp.float32)
    return {"x": x, "table": table}


def reference(x, table):
    # BinEmbedding.forward
    nans = jnp.isnan(x)
    # self.bin(x): left_closed=True
    diff = x[..., None] - BINS                     # [B, L, 64]
    z = diff >= 0
    z = jnp.concatenate([z, jnp.zeros_like(z[..., -1:])], axis=-1)  # [B, L, 65]
    b = jnp.clip(jnp.argmin(z.astype(jnp.int32), axis=2) - 1, 0, None)
    b = b.astype(jnp.float32)
    b = jnp.where(nans, jnp.nan, b)
    # DiscreteEmbedding.forward
    b = b + 1.0
    b = jnp.where(jnp.isnan(b), 0.0, b)
    idx = b.astype(jnp.int32)
    out = jnp.take(table, idx, axis=0)             # [B, L, 32]
    # cls=False -> Identity
    return out

if __name__ == "__main__":
    import jax
    _d = setup_inputs()
    print(jax.jit(kernel)(*tuple(_d.values())))

</pallas_src>

<mosaic_0001>
#map = affine_map<(d0, d1) -> (0)>
module attributes {stable_mosaic.version = 14 : i64} {
  func.func @_sc_body(%arg0: i32, %arg1: i32, %arg2: memref<3276800xf32, #tpu.memory_space<hbm>>, %arg3: memref<128xf32, #tpu.memory_space<hbm>>, %arg4: memref<128xf32, #tpu.memory_space<hbm>>, %arg5: memref<3276800xi32, #tpu.memory_space<hbm>>, %arg6: memref<4096xf32, #tpu.memory_space<vmem>>, %arg7: memref<4096xi32, #tpu.memory_space<vmem>>, %arg8: memref<128xf32, #tpu.memory_space<vmem>>, %arg9: memref<128xf32, #tpu.memory_space<vmem>>) attributes {dimension_semantics = [#tpu.dimension_semantics<core_parallel>, #tpu.dimension_semantics<subcore_parallel>], iteration_bounds = array<i64: 2, 16>, scalar_prefetch = 0 : i64, scratch_operands = 4 : i64, tpu.core_type = #tpu.core_type<sc_vector_subcore>, window_params = [{transform_indices = #map}, {transform_indices = #map}, {transform_indices = #map}, {transform_indices = #map}]} {
    %mul3A = arith.constant 2 : i32
    %mul3A_0 = arith.muli %arg1, %mul3A : i32
    %add3A = arith.addi %mul3A_0, %arg0 : i32
    %mul3A_1 = arith.constant 102400 : i32
    %mul3A_2 = arith.muli %add3A, %mul3A_1 : i32
    "tpu.region"() ({
      %run_scoped3A = tpu.sem_alloc : memref<!tpu.dma_semaphore, #tpu.memory_space<semaphore_mem>>
      tpu.enqueue_dma source(%arg3 : memref<128xf32, #tpu.memory_space<hbm>>) target(%arg8 : memref<128xf32, #tpu.memory_space<vmem>>) target_semaphore(%run_scoped3A : memref<!tpu.dma_semaphore, #tpu.memory_space<semaphore_mem>>)
      tpu.wait_dma2 semaphore(%run_scoped3A : memref<!tpu.dma_semaphore, #tpu.memory_space<semaphore_mem>>) src(%arg3 : memref<128xf32, #tpu.memory_space<hbm>>) dst(%arg8 : memref<128xf32, #tpu.memory_space<vmem>>)
      tpu.yield
    }) : () -> ()
    "tpu.region"() ({
      %run_scoped3A = tpu.sem_alloc : memref<!tpu.dma_semaphore, #tpu.memory_space<semaphore_mem>>
      tpu.enqueue_dma source(%arg4 : memref<128xf32, #tpu.memory_space<hbm>>) target(%arg9 : memref<128xf32, #tpu.memory_space<vmem>>) target_semaphore(%run_scoped3A : memref<!tpu.dma_semaphore, #tpu.memory_space<semaphore_mem>>)
      tpu.wait_dma2 semaphore(%run_scoped3A : memref<!tpu.dma_semaphore, #tpu.memory_space<semaphore_mem>>) src(%arg4 : memref<128xf32, #tpu.memory_space<hbm>>) dst(%arg9 : memref<128xf32, #tpu.memory_space<vmem>>)
      tpu.yield
    }) : () -> ()
    %scan3A = arith.constant 0 : i32
    %scan3A_3 = arith.constant 0 : i32
    %scan3A_4 = arith.constant 25 : i32
    %scan3A_5 = arith.addi %scan3A_3, %scan3A_4 : i32
    %scan3A_6 = arith.constant 1 : i32
    scf.for %scan3A_8 = %scan3A_3 to %scan3A_5 step %scan3A_6  : i32 {
      %mul3A_9 = arith.constant 4096 : i32
      %mul3A_10 = arith.muli %scan3A_8, %mul3A_9 : i32
      %add3A_11 = arith.addi %mul3A_2, %mul3A_10 : i32
      "tpu.region"() ({
        %run_scoped3A = tpu.sem_alloc : memref<!tpu.dma_semaphore, #tpu.memory_space<semaphore_mem>>
        %dma_start3A = tpu.memref_slice %arg2[%add3A_11] : memref<3276800xf32, #tpu.memory_space<hbm>> -> memref<4096xf32, #tpu.memory_space<hbm>>
        %dma_start3A_18 = tpu.memref_slice %arg2[%add3A_11] : memref<3276800xf32, #tpu.memory_space<hbm>> -> memref<4096xf32, #tpu.memory_space<hbm>>
        tpu.enqueue_dma source(%dma_start3A_18 : memref<4096xf32, #tpu.memory_space<hbm>>) target(%arg6 : memref<4096xf32, #tpu.memory_space<vmem>>) target_semaphore(%run_scoped3A : memref<!tpu.dma_semaphore, #tpu.memory_space<semaphore_mem>>)
        %dma_wait3A = tpu.memref_slice %arg2[%add3A_11] : memref<3276800xf32, #tpu.memory_space<hbm>> -> memref<4096xf32, #tpu.memory_space<hbm>>
        %dma_wait3A_19 = tpu.memref_slice %arg2[%add3A_11] : memref<3276800xf32, #tpu.memory_space<hbm>> -> memref<4096xf32, #tpu.memory_space<hbm>>
        tpu.wait_dma2 semaphore(%run_scoped3A : memref<!tpu.dma_semaphore, #tpu.memory_space<semaphore_mem>>) src(%dma_wait3A_19 : memref<4096xf32, #tpu.memory_space<hbm>>) dst(%arg6 : memref<4096xf32, #tpu.memory_space<vmem>>)
        tpu.yield
      }) : () -> ()
      %scan3A_12 = arith.constant 0 : i32
      %scan3A_13 = arith.constant 0 : i32
      %scan3A_14 = arith.constant 256 : i32
      %scan3A_15 = arith.addi %scan3A_13, %scan3A_14 : i32
      %scan3A_16 = arith.constant 1 : i32
      scf.for %scan3A_18 = %scan3A_13 to %scan3A_15 step %scan3A_16  : i32 {
        %mul3A_19 = arith.constant 16 : i32
        %mul3A_20 = arith.muli %scan3A_18, %mul3A_19 : i32
        %get3A = arith.index_cast %mul3A_20 : i32 to index
        %get3A_21 = tpu.vector_load %arg6[%get3A] {strides = array<i32>} : memref<4096xf32, #tpu.memory_space<vmem>>, vector<16xf32>,
        %sub3A = arith.constant -3.150000e+00 : f32
        %sub3A_22 = vector.broadcast %sub3A : f32 to vector<16xf32>
        %sub3A_23 = arith.subf %get3A_21, %sub3A_22 : vector<16xf32>
        %mul3A_24 = arith.constant 1.000000e+01 : f32
        %mul3A_25 = vector.broadcast %mul3A_24 : f32 to vector<16xf32>
        %mul3A_26 = arith.mulf %sub3A_23, %mul3A_25 : vector<16xf32>
        %jit3A = arith.constant -1.000000e+02 : f32
        %jit3A_27 = arith.constant 1.000000e+02 : f32
        %max3A = vector.broadcast %jit3A : f32 to vector<16xf32>
        %max3A_28 = arith.maximumf %max3A, %mul3A_26 : vector<16xf32>
        %min3A = vector.broadcast %jit3A_27 : f32 to vector<16xf32>
        %min3A_29 = arith.minimumf %min3A, %max3A_28 : vector<16xf32>
        %convert_element_type3A = arith.fptosi %min3A_29 : vector<16xf32> to vector<16xi32>
        %add3A_30 = arith.constant 1 : i32
        %add3A_31 = vector.broadcast %add3A_30 : i32 to vector<16xi32>
        %add3A_32 = arith.addi %convert_element_type3A, %add3A_31 : vector<16xi32>
        %jit3A_33 = arith.constant 0 : i32
        %jit3A_34 = arith.constant 64 : i32
        %max3A_35 = vector.broadcast %jit3A_33 : i32 to vector<16xi32>
        %max3A_36 = arith.maxsi %max3A_35, %add3A_32 : vector<16xi32>
        %min3A_37 = vector.broadcast %jit3A_34 : i32 to vector<16xi32>
        %min3A_38 = arith.minsi %min3A_37, %max3A_36 : vector<16xi32>
        %gather3A = tpu.vector_load_idx %arg9[%min3A_38] : memref<128xf32, #tpu.memory_space<vmem>>[vector<16xi32>], vector<16xf32>,
        %gather3A_39 = tpu.vector_load_idx %arg8[%min3A_38] : memref<128xf32, #tpu.memory_space<vmem>>[vector<16xi32>], vector<16xf32>,
        %ge3A = arith.cmpf oge, %get3A_21, %gather3A : vector<16xf32>
        %convert_element_type3A_40 = arith.extui %ge3A : vector<16xi1> to vector<16xi32>
        %add3A_41 = arith.addi %min3A_38, %convert_element_type3A_40 : vector<16xi32>
        %lt3A = arith.cmpf olt, %get3A_21, %gather3A_39 : vector<16xf32>
        %convert_element_type3A_42 = arith.extui %lt3A : vector<16xi1> to vector<16xi32>
        %sub3A_43 = arith.subi %add3A_41, %convert_element_type3A_42 : vector<16xi32>
        %jit3A_44 = arith.constant 1 : i32
        %jit3A_45 = arith.constant 64 : i32
        %max3A_46 = vector.broadcast %jit3A_44 : i32 to vector<16xi32>
        %max3A_47 = arith.maxsi %max3A_46, %sub3A_43 : vector<16xi32>
        %min3A_48 = vector.broadcast %jit3A_45 : i32 to vector<16xi32>
        %min3A_49 = arith.minsi %min3A_48, %max3A_47 : vector<16xi32>
        %ne3A = arith.cmpf one, %get3A_21, %get3A_21 : vector<16xf32>
        %jit3A_50 = arith.constant 0 : i32
        %broadcast_in_dim3A = vector.broadcast %jit3A_50 : i32 to vector<16xi32>
        %select_n3A = arith.select %ne3A, %broadcast_in_dim3A, %min3A_49 : vector<16xi1>, vector<16xi32>
        %mul3A_51 = arith.constant 16 : i32
        %mul3A_52 = arith.muli %scan3A_18, %mul3A_51 : i32
        %swap3A = arith.index_cast %mul3A_52 : i32 to index
        %swap3A_53 = tpu.vector_load %arg7[%swap3A] {strides = array<i32>} : memref<4096xi32, #tpu.memory_space<vmem>>, vector<16xi32>,
        tpu.vector_store %arg7[%swap3A], %select_n3A {strides = array<i32>} : memref<4096xi32, #tpu.memory_space<vmem>>, vector<16xi32>,
      }
      %scan3A_17 = arith.constant 256 : i32
      "tpu.region"() ({
        %run_scoped3A = tpu.sem_alloc : memref<!tpu.dma_semaphore, #tpu.memory_space<semaphore_mem>>
        %dma_start3A = tpu.memref_slice %arg5[%add3A_11] : memref<3276800xi32, #tpu.memory_space<hbm>> -> memref<4096xi32, #tpu.memory_space<hbm>>
        %dma_start3A_18 = tpu.memref_slice %arg5[%add3A_11] : memref<3276800xi32, #tpu.memory_space<hbm>> -> memref<4096xi32, #tpu.memory_space<hbm>>
        tpu.enqueue_dma source(%arg7 : memref<4096xi32, #tpu.memory_space<vmem>>) target(%dma_start3A_18 : memref<4096xi32, #tpu.memory_space<hbm>>) target_semaphore(%run_scoped3A : memref<!tpu.dma_semaphore, #tpu.memory_space<semaphore_mem>>)
        %dma_wait3A = tpu.memref_slice %arg5[%add3A_11] : memref<3276800xi32, #tpu.memory_space<hbm>> -> memref<4096xi32, #tpu.memory_space<hbm>>
        %dma_wait3A_19 = tpu.memref_slice %arg5[%add3A_11] : memref<3276800xi32, #tpu.memory_space<hbm>> -> memref<4096xi32, #tpu.memory_space<hbm>>
        tpu.wait_dma2 semaphore(%run_scoped3A : memref<!tpu.dma_semaphore, #tpu.memory_space<semaphore_mem>>) src(%arg7 : memref<4096xi32, #tpu.memory_space<vmem>>) dst(%dma_wait3A_19 : memref<4096xi32, #tpu.memory_space<hbm>>)
        tpu.yield
      }) : () -> ()
    }
    %scan3A_7 = arith.constant 25 : i32
    return
  }
}

module attributes {stable_mosaic.version = 14 : i64} {
  func.func @_tc_body(%arg0: i32, %arg1: i32, %arg2: memref<1x25x2048xi32, #tpu.memory_space<vmem>>, %arg3: memref<72x32xf32, #tpu.memory_space<vmem>>, %arg4: memref<25x32x2048xf32, #tpu.memory_space<vmem>>) attributes {dimension_semantics = [#tpu.dimension_semantics<arbitrary>, #tpu.dimension_semantics<arbitrary>], iteration_bounds = array<i64: 8, 8>, scalar_prefetch = 0 : i64, scratch_operands = 0 : i64, tpu.core_type = #tpu.core_type<tc>, window_params = [{transform_indices = @transform_0, window_bounds = array<i64: 1, 25, 2048>}, {pipeline_mode = #tpu.pipeline_mode<synchronous>, transform_indices = @transform_1, window_bounds = array<i64: 72, 32>}, {transform_indices = @transform_2, window_bounds = array<i64: 25, 32, 2048>}]} {
    %get3A = arith.constant 0 : index
    %get3A_0 = arith.constant 0 : index
    %get3A_1 = arith.constant 0 : index
    %get3A_2 = vector.load %arg2[%get3A, %get3A_0, %get3A_1] : memref<1x25x2048xi32, #tpu.memory_space<vmem>>, vector<1x25x2048xi32>
    %reshape3A = vector.shape_cast %get3A_2 : vector<1x25x2048xi32> to vector<25x2048xi32>
    %get3A_3 = arith.constant 0 : index
    %get3A_4 = arith.constant 0 : index
    %get3A_5 = vector.load %arg3[%get3A_3, %get3A_4] : memref<72x32xf32, #tpu.memory_space<vmem>>, vector<72x32xf32>
    %iota3A = tpu.iota {dimensions = array<i32: 0>} : vector<72x2048xi32>
    %slice3A = vector.extract_strided_slice %reshape3A {offsets = [0, 0], sizes = [1, 2048], strides = [1, 1]} : vector<25x2048xi32> to vector<1x2048xi32>
    %broadcast_in_dim3A = vector.shape_cast %slice3A : vector<1x2048xi32> to vector<1x2048xi32>
    %broadcast_in_dim3A_6 = vector.broadcast %broadcast_in_dim3A : vector<1x2048xi32> to vector<72x2048xi32>
    %eq3A = arith.cmpi eq, %broadcast_in_dim3A_6, %iota3A : vector<72x2048xi32>
    %convert_element_type3A = arith.extui %eq3A : vector<72x2048xi1> to vector<72x2048xi32>
    %convert_element_type3A_7 = arith.sitofp %convert_element_type3A : vector<72x2048xi32> to vector<72x2048xf32>
    %dot_general3A = arith.constant dense<0.000000e+00> : vector<32x2048xf32>
    %dot_general3A_8 = tpu.matmul %get3A_5, %convert_element_type3A_7, %dot_general3A {dimension_numbers = #tpu.dot_dimension_numbers<[0], [0], [1], [1], [0, 1, 1, 1], [], []>, transpose_lhs_hint = false} : vector<72x32xf32>, vector<72x2048xf32>, vector<32x2048xf32> -> vector<32x2048xf32>
    %swap3A = arith.constant 0 : index
    %swap3A_9 = arith.constant 0 : index
    %swap3A_10 = arith.constant 0 : index
    %swap3A_11 = vector.load %arg4[%swap3A, %swap3A_9, %swap3A_10] : memref<25x32x2048xf32, #tpu.memory_space<vmem>>, vector<1x32x2048xf32>
    %swap3A_12 = vector.shape_cast %swap3A_11 : vector<1x32x2048xf32> to vector<32x2048xf32>
    %swap3A_13 = vector.shape_cast %dot_general3A_8 : vector<32x2048xf32> to vector<1x32x2048xf32>
    tpu.vector_store %arg4[%swap3A, %swap3A_9, %swap3A_10], %swap3A_13 {strides = array<i32>} : memref<25x32x2048xf32, #tpu.memory_space<vmem>>, vector<1x32x2048xf32>,
    %slice3A_14 = vector.extract_strided_slice %reshape3A {offsets = [1, 0], sizes = [1, 2048], strides = [1, 1]} : vector<25x2048xi32> to vector<1x2048xi32>
    %broadcast_in_dim3A_15 = vector.shape_cast %slice3A_14 : vector<1x2048xi32> to vector<1x2048xi32>
    %broadcast_in_dim3A_16 = vector.broadcast %broadcast_in_dim3A_15 : vector<1x2048xi32> to vector<72x2048xi32>
    %eq3A_17 = arith.cmpi eq, %broadcast_in_dim3A_16, %iota3A : vector<72x2048xi32>
    %convert_element_type3A_18 = arith.extui %eq3A_17 : vector<72x2048xi1> to vector<72x2048xi32>
    %convert_element_type3A_19 = arith.sitofp %convert_element_type3A_18 : vector<72x2048xi32> to vector<72x2048xf32>
    %dot_general3A_20 = arith.constant dense<0.000000e+00> : vector<32x2048xf32>
    %dot_general3A_21 = tpu.matmul %get3A_5, %convert_element_type3A_19, %dot_general3A_20 {dimension_numbers = #tpu.dot_dimension_numbers<[0], [0], [1], [1], [0, 1, 1, 1], [], []>, transpose_lhs_hint = false} : vector<72x32xf32>, vector<72x2048xf32>, vector<32x2048xf32> -> vector<32x2048xf32>
    %swap3A_22 = arith.constant 1 : index
    %swap3A_23 = arith.constant 0 : index
    %swap3A_24 = arith.constant 0 : index
    %swap3A_25 = vector.load %arg4[%swap3A_22, %swap3A_23, %swap3A_24] : memref<25x32x2048xf32, #tpu.memory_space<vmem>>, vector<1x32x2048xf32>
    %swap3A_26 = vector.shape_cast %swap3A_25 : vector<1x32x2048xf32> to vector<32x2048xf32>
    %swap3A_27 = vector.shape_cast %dot_general3A_21 : vector<32x2048xf32> to vector<1x32x2048xf32>
    tpu.vector_store %arg4[%swap3A_22, %swap3A_23, %swap3A_24], %swap3A_27 {strides = array<i32>} : memref<25x32x2048xf32, #tpu.memory_space<vmem>>, vector<1x32x2048xf32>,
    %slice3A_28 = vector.extract_strided_slice %reshape3A {offsets = [2, 0], sizes = [1, 2048], strides = [1, 1]} : vector<25x2048xi32> to vector<1x2048xi32>
    %broadcast_in_dim3A_29 = vector.shape_cast %slice3A_28 : vector<1x2048xi32> to vector<1x2048xi32>
    %broadcast_in_dim3A_30 = vector.broadcast %broadcast_in_dim3A_29 : vector<1x2048xi32> to vector<72x2048xi32>
    %eq3A_31 = arith.cmpi eq, %broadcast_in_dim3A_30, %iota3A : vector<72x2048xi32>
    %convert_element_type3A_32 = arith.extui %eq3A_31 : vector<72x2048xi1> to vector<72x2048xi32>
    %convert_element_type3A_33 = arith.sitofp %convert_element_type3A_32 : vector<72x2048xi32> to vector<72x2048xf32>
    %dot_general3A_34 = arith.constant dense<0.000000e+00> : vector<32x2048xf32>
    %dot_general3A_35 = tpu.matmul %get3A_5, %convert_element_type3A_33, %dot_general3A_34 {dimension_numbers = #tpu.dot_dimension_numbers<[0], [0], [1], [1], [0, 1, 1, 1], [], []>, transpose_lhs_hint = false} : vector<72x32xf32>, vector<72x2048xf32>, vector<32x2048xf32> -> vector<32x2048xf32>
    %swap3A_36 = arith.constant 2 : index
    %swap3A_37 = arith.constant 0 : index
    %swap3A_38 = arith.constant 0 : index
    %swap3A_39 = vector.load %arg4[%swap3A_36, %swap3A_37, %swap3A_38] : memref<25x32x2048xf32, #tpu.memory_space<vmem>>, vector<1x32x2048xf32>
    %swap3A_40 = vector.shape_cast %swap3A_39 : vector<1x32x2048xf32> to vector<32x2048xf32>
    %swap3A_41 = vector.shape_cast %dot_general3A_35 : vector<32x2048xf32> to vector<1x32x2048xf32>
    tpu.vector_store %arg4[%swap3A_36, %swap3A_37, %swap3A_38], %swap3A_41 {strides = array<i32>} : memref<25x32x2048xf32, #tpu.memory_space<vmem>>, vector<1x32x2048xf32>,
    %slice3A_42 = vector.extract_strided_slice %reshape3A {offsets = [3, 0], sizes = [1, 2048], strides = [1, 1]} : vector<25x2048xi32> to vector<1x2048xi32>
    %broadcast_in_dim3A_43 = vector.shape_cast %slice3A_42 : vector<1x2048xi32> to vector<1x2048xi32>
    %broadcast_in_dim3A_44 = vector.broadcast %broadcast_in_dim3A_43 : vector<1x2048xi32> to vector<72x2048xi32>
    %eq3A_45 = arith.cmpi eq, %broadcast_in_dim3A_44, %iota3A : vector<72x2048xi32>
    %convert_element_type3A_46 = arith.extui %eq3A_45 : vector<72x2048xi1> to vector<72x2048xi32>
    %convert_element_type3A_47 = arith.sitofp %convert_element_type3A_46 : vector<72x2048xi32> to vector<72x2048xf32>
    %dot_general3A_48 = arith.constant dense<0.000000e+00> : vector<32x2048xf32>
    %dot_general3A_49 = tpu.matmul %get3A_5, %convert_element_type3A_47, %dot_general3A_48 {dimension_numbers = #tpu.dot_dimension_numbers<[0], [0], [1], [1], [0, 1, 1, 1], [], []>, transpose_lhs_hint = false} : vector<72x32xf32>, vector<72x2048xf32>, vector<32x2048xf32> -> vector<32x2048xf32>
    %swap3A_50 = arith.constant 3 : index
    %swap3A_51 = arith.constant 0 : index
    %swap3A_52 = arith.constant 0 : index
    %swap3A_53 = vector.load %arg4[%swap3A_50, %swap3A_51, %swap3A_52] : memref<25x32x2048xf32, #tpu.memory_space<vmem>>, vector<1x32x2048xf32>
    %swap3A_54 = vector.shape_cast %swap3A_53 : vector<1x32x2048xf32> to vector<32x2048xf32>
    %swap3A_55 = vector.shape_cast %dot_general3A_49 : vector<32x2048xf32> to vector<1x32x2048xf32>
    tpu.vector_store %arg4[%swap3A_50, %swap3A_51, %swap3A_52], %swap3A_55 {strides = array<i32>} : memref<25x32x2048xf32, #tpu.memory_space<vmem>>, vector<1x32x2048xf32>,
    %slice3A_56 = vector.extract_strided_slice %reshape3A {offsets = [4, 0], sizes = [1, 2048], strides = [1, 1]} : vector<25x2048xi32> to vector<1x2048xi32>
    %broadcast_in_dim3A_57 = vector.shape_cast %slice3A_56 : vector<1x2048xi32> to vector<1x2048xi32>
    %broadcast_in_dim3A_58 = vector.broadcast %broadcast_in_dim3A_57 : vector<1x2048xi32> to vector<72x2048xi32>
    %eq3A_59 = arith.cmpi eq, %broadcast_in_dim3A_58, %iota3A : vector<72x2048xi32>
    %convert_element_type3A_60 = arith.extui %eq3A_59 : vector<72x2048xi1> to vector<72x2048xi32>
    %convert_element_type3A_61 = arith.sitofp %convert_element_type3A_60 : vector<72x2048xi32> to vector<72x2048xf32>
    %dot_general3A_62 = arith.constant dense<0.000000e+00> : vector<32x2048xf32>
    %dot_general3A_63 = tpu.matmul %get3A_5, %convert_element_type3A_61, %dot_general3A_62 {dimension_numbers = #tpu.dot_dimension_numbers<[0], [0], [1], [1], [0, 1, 1, 1], [], []>, transpose_lhs_hint = false} : vector<72x32xf32>, vector<72x2048xf32>, vector<32x2048xf32> -> vector<32x2048xf32>
    %swap3A_64 = arith.constant 4 : index
    %swap3A_65 = arith.constant 0 : index
    %swap3A_66 = arith.constant 0 : index
    %swap3A_67 = vector.load %arg4[%swap3A_64, %swap3A_65, %swap3A_66] : memref<25x32x2048xf32, #tpu.memory_space<vmem>>, vector<1x32x2048xf32>
    %swap3A_68 = vector.shape_cast %swap3A_67 : vector<1x32x2048xf32> to vector<32x2048xf32>
    %swap3A_69 = vector.shape_cast %dot_general3A_63 : vector<32x2048xf32> to vector<1x32x2048xf32>
    tpu.vector_store %arg4[%swap3A_64, %swap3A_65, %swap3A_66], %swap3A_69 {strides = array<i32>} : memref<25x32x2048xf32, #tpu.memory_space<vmem>>, vector<1x32x2048xf32>,
    %slice3A_70 = vector.extract_strided_slice %reshape3A {offsets = [5, 0], sizes = [1, 2048], strides = [1, 1]} : vector<25x2048xi32> to vector<1x2048xi32>
    %broadcast_in_dim3A_71 = vector.shape_cast %slice3A_70 : vector<1x2048xi32> to vector<1x2048xi32>
    %broadcast_in_dim3A_72 = vector.broadcast %broadcast_in_dim3A_71 : vector<1x2048xi32> to vector<72x2048xi32>
    %eq3A_73 = arith.cmpi eq, %broadcast_in_dim3A_72, %iota3A : vector<72x2048xi32>
    %convert_element_type3A_74 = arith.extui %eq3A_73 : vector<72x2048xi1> to vector<72x2048xi32>
    %convert_element_type3A_75 = arith.sitofp %convert_element_type3A_74 : vector<72x2048xi32> to vector<72x2048xf32>
    %dot_general3A_76 = arith.constant dense<0.000000e+00> : vector<32x2048xf32>
    %dot_general3A_77 = tpu.matmul %get3A_5, %convert_element_type3A_75, %dot_general3A_76 {dimension_numbers = #tpu.dot_dimension_numbers<[0], [0], [1], [1], [0, 1, 1, 1], [], []>, transpose_lhs_hint = false} : vector<72x32xf32>, vector<72x2048xf32>, vector<32x2048xf32> -> vector<32x2048xf32>
    %swap3A_78 = arith.constant 5 : index
    %swap3A_79 = arith.constant 0 : index
    %swap3A_80 = arith.constant 0 : index
    %swap3A_81 = vector.load %arg4[%swap3A_78, %swap3A_79, %swap3A_80] : memref<25x32x2048xf32, #tpu.memory_space<vmem>>, vector<1x32x2048xf32>
    %swap3A_82 = vector.shape_cast %swap3A_81 : vector<1x32x2048xf32> to vector<32x2048xf32>
    %swap3A_83 = vector.shape_cast %dot_general3A_77 : vector<32x2048xf32> to vector<1x32x2048xf32>
    tpu.vector_store %arg4[%swap3A_78, %swap3A_79, %swap3A_80], %swap3A_83 {strides = array<i32>} : memref<25x32x2048xf32, #tpu.memory_space<vmem>>, vector<1x32x2048xf32>,
    %slice3A_84 = vector.extract_strided_slice %reshape3A {offsets = [6, 0], sizes = [1, 2048], strides = [1, 1]} : vector<25x2048xi32> to vector<1x2048xi32>
    %broadcast_in_dim3A_85 = vector.shape_cast %slice3A_84 : vector<1x2048xi32> to vector<1x2048xi32>
    %broadcast_in_dim3A_86 = vector.broadcast %broadcast_in_dim3A_85 : vector<1x2048xi32> to vector<72x2048xi32>
    %eq3A_87 = arith.cmpi eq, %broadcast_in_dim3A_86, %iota3A : vector<72x2048xi32>
    %convert_element_type3A_88 = arith.extui %eq3A_87 : vector<72x2048xi1> to vector<72x2048xi32>
    %convert_element_type3A_89 = arith.sitofp %convert_element_type3A_88 : vector<72x2048xi32> to vector<72x2048xf32>
    %dot_general3A_90 = arith.constant dense<0.000000e+00> : vector<32x2048xf32>
    %dot_general3A_91 = tpu.matmul %get3A_5, %convert_element_type3A_89, %dot_general3A_90 {dimension_numbers = #tpu.dot_dimension_numbers<[0], [0], [1], [1], [0, 1, 1, 1], [], []>, transpose_lhs_hint = false} : vector<72x32xf32>, vector<72x2048xf32>, vector<32x2048xf32> -> vector<32x2048xf32>
    %swap3A_92 = arith.constant 6 : index
    %swap3A_93 = arith.constant 0 : index
    %swap3A_94 = arith.constant 0 : index
    %swap3A_95 = vector.load %arg4[%swap3A_92, %swap3A_93, %swap3A_94] : memref<25x32x2048xf32, #tpu.memory_space<vmem>>, vector<1x32x2048xf32>
    %swap3A_96 = vector.shape_cast %swap3A_95 : vector<1x32x2048xf32> to vector<32x2048xf32>
    %swap3A_97 = vector.shape_cast %dot_general3A_91 : vector<32x2048xf32> to vector<1x32x2048xf32>
    tpu.vector_store %arg4[%swap3A_92, %swap3A_93, %swap3A_94], %swap3A_97 {strides = array<i32>} : memref<25x32x2048xf32, #tpu.memory_space<vmem>>, vector<1x32x2048xf32>,
    %slice3A_98 = vector.extract_strided_slice %reshape3A {offsets = [7, 0], sizes = [1, 2048], strides = [1, 1]} : vector<25x2048xi32> to vector<1x2048xi32>
    %broadcast_in_dim3A_99 = vector.shape_cast %slice3A_98 : vector<1x2048xi32> to vector<1x2048xi32>
    %broadcast_in_dim3A_100 = vector.broadcast %broadcast_in_dim3A_99 : vector<1x2048xi32> to vector<72x2048xi32>
    %eq3A_101 = arith.cmpi eq, %broadcast_in_dim3A_100, %iota3A : vector<72x2048xi32>
    %convert_element_type3A_102 = arith.extui %eq3A_101 : vector<72x2048xi1> to vector<72x2048xi32>
    %convert_element_type3A_103 = arith.sitofp %convert_element_type3A_102 : vector<72x2048xi32> to vector<72x2048xf32>
    %dot_general3A_104 = arith.constant dense<0.000000e+00> : vector<32x2048xf32>
    %dot_general3A_105 = tpu.matmul %get3A_5, %convert_element_type3A_103, %dot_general3A_104 {dimension_numbers = #tpu.dot_dimension_numbers<[0], [0], [1], [1], [0, 1, 1, 1], [], []>, transpose_lhs_hint = false} : vector<72x32xf32>, vector<72x2048xf32>, vector<32x2048xf32> -> vector<32x2048xf32>
    %swap3A_106 = arith.constant 7 : index
    %swap3A_107 = arith.constant 0 : index
    %swap3A_108 = arith.constant 0 : index
    %swap3A_109 = vector.load %arg4[%swap3A_106, %swap3A_107, %swap3A_108] : memref<25x32x2048xf32, #tpu.memory_space<vmem>>, vector<1x32x2048xf32>
    %swap3A_110 = vector.shape_cast %swap3A_109 : vector<1x32x2048xf32> to vector<32x2048xf32>
    %swap3A_111 = vector.shape_cast %dot_general3A_105 : vector<32x2048xf32> to vector<1x32x2048xf32>
    tpu.vector_store %arg4[%swap3A_106, %swap3A_107, %swap3A_108], %swap3A_111 {strides = array<i32>} : memref<25x32x2048xf32, #tpu.memory_space<vmem>>, vector<1x32x2048xf32>,
    %slice3A_112 = vector.extract_strided_slice %reshape3A {offsets = [8, 0], sizes = [1, 2048], strides = [1, 1]} : vector<25x2048xi32> to vector<1x2048xi32>
    %broadcast_in_dim3A_113 = vector.shape_cast %slice3A_112 : vector<1x2048xi32> to vector<1x2048xi32>
    %broadcast_in_dim3A_114 = vector.broadcast %broadcast_in_dim3A_113 : vector<1x2048xi32> to vector<72x2048xi32>
    %eq3A_115 = arith.cmpi eq, %broadcast_in_dim3A_114, %iota3A : vector<72x2048xi32>
    %convert_element_type3A_116 = arith.extui %eq3A_115 : vector<72x2048xi1> to vector<72x2048xi32>
    %convert_element_type3A_117 = arith.sitofp %convert_element_type3A_116 : vector<72x2048xi32> to vector<72x2048xf32>
    %dot_general3A_118 = arith.constant dense<0.000000e+00> : vector<32x2048xf32>
    %dot_general3A_119 = tpu.matmul %get3A_5, %convert_element_type3A_117, %dot_general3A_118 {dimension_numbers = #tpu.dot_dimension_numbers<[0], [0], [1], [1], [0, 1, 1, 1], [], []>, transpose_lhs_hint = false} : vector<72x32xf32>, vector<72x2048xf32>, vector<32x2048xf32> -> vector<32x2048xf32>
    %swap3A_120 = arith.constant 8 : index
    %swap3A_121 = arith.constant 0 : index
    %swap3A_122 = arith.constant 0 : index
    %swap3A_123 = vector.load %arg4[%swap3A_120, %swap3A_121, %swap3A_122] : memref<25x32x2048xf32, #tpu.memory_space<vmem>>, vector<1x32x2048xf32>
    %swap3A_124 = vector.shape_cast %swap3A_123 : vector<1x32x2048xf32> to vector<32x2048xf32>
    %swap3A_125 = vector.shape_cast %dot_general3A_119 : vector<32x2048xf32> to vector<1x32x2048xf32>
    tpu.vector_store %arg4[%swap3A_120, %swap3A_121, %swap3A_122], %swap3A_125 {strides = array<i32>} : memref<25x32x2048xf32, #tpu.memory_space<vmem>>, vector<1x32x2048xf32>,
    %slice3A_126 = vector.extract_strided_slice %reshape3A {offsets = [9, 0], sizes = [1, 2048], strides = [1, 1]} : vector<25x2048xi32> to vector<1x2048xi32>
    %broadcast_in_dim3A_127 = vector.shape_cast %slice3A_126 : vector<1x2048xi32> to vector<1x2048xi32>
    %broadcast_in_dim3A_128 = vector.broadcast %broadcast_in_dim3A_127 : vector<1x2048xi32> to vector<72x2048xi32>
    %eq3A_129 = arith.cmpi eq, %broadcast_in_dim3A_128, %iota3A : vector<72x2048xi32>
    %convert_element_type3A_130 = arith.extui %eq3A_129 : vector<72x2048xi1> to vector<72x2048xi32>
    %convert_element_type3A_131 = arith.sitofp %convert_element_type3A_130 : vector<72x2048xi32> to vector<72x2048xf32>
    %dot_general3A_132 = arith.constant dense<0.000000e+00> : vector<32x2048xf32>
    %dot_general3A_133 = tpu.matmul %get3A_5, %convert_element_type3A_131, %dot_general3A_132 {dimension_numbers = #tpu.dot_dimension_numbers<[0], [0], [1], [1], [0, 1, 1, 1], [], []>, transpose_lhs_hint = false} : vector<72x32xf32>, vector<72x2048xf32>, vector<32x2048xf32> -> vector<32x2048xf32>
    %swap3A_134 = arith.constant 9 : index
    %swap3A_135 = arith.constant 0 : index
    %swap3A_136 = arith.constant 0 : index
    %swap3A_137 = vector.load %arg4[%swap3A_134, %swap3A_135, %swap3A_136] : memref<25x32x2048xf32, #tpu.memory_space<vmem>>, vector<1x32x2048xf32>
    %swap3A_138 = vector.shape_cast %swap3A_137 : vector<1x32x2048xf32> to vector<32x2048xf32>
    %swap3A_139 = vector.shape_cast %dot_general3A_133 : vector<32x2048xf32> to vector<1x32x2048xf32>
    tpu.vector_store %arg4[%swap3A_134, %swap3A_135, %swap3A_136], %swap3A_139 {strides = array<i32>} : memref<25x32x2048xf32, #tpu.memory_space<vmem>>, vector<1x32x2048xf32>,
    %slice3A_140 = vector.extract_strided_slice %reshape3A {offsets = [10, 0], sizes = [1, 2048], strides = [1, 1]} : vector<25x2048xi32> to vector<1x2048xi32>
    %broadcast_in_dim3A_141 = vector.shape_cast %slice3A_140 : vector<1x2048xi32> to vector<1x2048xi32>
    %broadcast_in_dim3A_142 = vector.broadcast %broadcast_in_dim3A_141 : vector<1x2048xi32> to vector<72x2048xi32>
    %eq3A_143 = arith.cmpi eq, %broadcast_in_dim3A_142, %iota3A : vector<72x2048xi32>
    %convert_element_type3A_144 = arith.extui %eq3A_143 : vector<72x2048xi1> to vector<72x2048xi32>
    %convert_element_type3A_145 = arith.sitofp %convert_element_type3A_144 : vector<72x2048xi32> to vector<72x2048xf32>
    %dot_general3A_146 = arith.constant dense<0.000000e+00> : vector<32x2048xf32>
    %dot_general3A_147 = tpu.matmul %get3A_5, %convert_element_type3A_145, %dot_general3A_146 {dimension_numbers = #tpu.dot_dimension_numbers<[0], [0], [1], [1], [0, 1, 1, 1], [], []>, transpose_lhs_hint = false} : vector<72x32xf32>, vector<72x2048xf32>, vector<32x2048xf32> -> vector<32x2048xf32>
    %swap3A_148 = arith.constant 10 : index
    %swap3A_149 = arith.constant 0 : index
    %swap3A_150 = arith.constant 0 : index
    %swap3A_151 = vector.load %arg4[%swap3A_148, %swap3A_149, %swap3A_150] : memref<25x32x2048xf32, #tpu.memory_space<vmem>>, vector<1x32x2048xf32>
    %swap3A_152 = vector.shape_cast %swap3A_151 : vector<1x32x2048xf32> to vector<32x2048xf32>
    %swap3A_153 = vector.shape_cast %dot_general3A_147 : vector<32x2048xf32> to vector<1x32x2048xf32>
    tpu.vector_store %arg4[%swap3A_148, %swap3A_149, %swap3A_150], %swap3A_153 {strides = array<i32>} : memref<25x32x2048xf32, #tpu.memory_space<vmem>>, vector<1x32x2048xf32>,
    %slice3A_154 = vector.extract_strided_slice %reshape3A {offsets = [11, 0], sizes = [1, 2048], strides = [1, 1]} : vector<25x2048xi32> to vector<1x2048xi32>
    %broadcast_in_dim3A_155 = vector.shape_cast %slice3A_154 : vector<1x2048xi32> to vector<1x2048xi32>
    %broadcast_in_dim3A_156 = vector.broadcast %broadcast_in_dim3A_155 : vector<1x2048xi32> to vector<72x2048xi32>
    %eq3A_157 = arith.cmpi eq, %broadcast_in_dim3A_156, %iota3A : vector<72x2048xi32>
    %convert_element_type3A_158 = arith.extui %eq3A_157 : vector<72x2048xi1> to vector<72x2048xi32>
    %convert_element_type3A_159 = arith.sitofp %convert_element_type3A_158 : vector<72x2048xi32> to vector<72x2048xf32>
    %dot_general3A_160 = arith.constant dense<0.000000e+00> : vector<32x2048xf32>
    %dot_general3A_161 = tpu.matmul %get3A_5, %convert_element_type3A_159, %dot_general3A_160 {dimension_numbers = #tpu.dot_dimension_numbers<[0], [0], [1], [1], [0, 1, 1, 1], [], []>, transpose_lhs_hint = false} : vector<72x32xf32>, vector<72x2048xf32>, vector<32x2048xf32> -> vector<32x2048xf32>
    %swap3A_162 = arith.constant 11 : index
    %swap3A_163 = arith.constant 0 : index
    %swap3A_164 = arith.constant 0 : index
    %swap3A_165 = vector.load %arg4[%swap3A_162, %swap3A_163, %swap3A_164] : memref<25x32x2048xf32, #tpu.memory_space<vmem>>, vector<1x32x2048xf32>
    %swap3A_166 = vector.shape_cast %swap3A_165 : vector<1x32x2048xf32> to vector<32x2048xf32>
    %swap3A_167 = vector.shape_cast %dot_general3A_161 : vector<32x2048xf32> to vector<1x32x2048xf32>
    tpu.vector_store %arg4[%swap3A_162, %swap3A_163, %swap3A_164], %swap3A_167 {strides = array<i32>} : memref<25x32x2048xf32, #tpu.memory_space<vmem>>, vector<1x32x2048xf32>,
    %slice3A_168 = vector.extract_strided_slice %reshape3A {offsets = [12, 0], sizes = [1, 2048], strides = [1, 1]} : vector<25x2048xi32> to vector<1x2048xi32>
    %broadcast_in_dim3A_169 = vector.shape_cast %slice3A_168 : vector<1x2048xi32> to vector<1x2048xi32>
    %broadcast_in_dim3A_170 = vector.broadcast %broadcast_in_dim3A_169 : vector<1x2048xi32> to vector<72x2048xi32>
    %eq3A_171 = arith.cmpi eq, %broadcast_in_dim3A_170, %iota3A : vector<72x2048xi32>
    %convert_element_type3A_172 = arith.extui %eq3A_171 : vector<72x2048xi1> to vector<72x2048xi32>
    %convert_element_type3A_173 = arith.sitofp %convert_element_type3A_172 : vector<72x2048xi32> to vector<72x2048xf32>
    %dot_general3A_174 = arith.constant dense<0.000000e+00> : vector<32x2048xf32>
    %dot_general3A_175 = tpu.matmul %get3A_5, %convert_element_type3A_173, %dot_general3A_174 {dimension_numbers = #tpu.dot_dimension_numbers<[0], [0], [1], [1], [0, 1, 1, 1], [], []>, transpose_lhs_hint = false} : vector<72x32xf32>, vector<72x2048xf32>, vector<32x2048xf32> -> vector<32x2048xf32>
    %swap3A_176 = arith.constant 12 : index
    %swap3A_177 = arith.constant 0 : index
    %swap3A_178 = arith.constant 0 : index
    %swap3A_179 = vector.load %arg4[%swap3A_176, %swap3A_177, %swap3A_178] : memref<25x32x2048xf32, #tpu.memory_space<vmem>>, vector<1x32x2048xf32>
    %swap3A_180 = vector.shape_cast %swap3A_179 : vector<1x32x2048xf32> to vector<32x2048xf32>
    %swap3A_181 = vector.shape_cast %dot_general3A_175 : vector<32x2048xf32> to vector<1x32x2048xf32>
    tpu.vector_store %arg4[%swap3A_176, %swap3A_177, %swap3A_178], %swap3A_181 {strides = array<i32>} : memref<25x32x2048xf32, #tpu.memory_space<vmem>>, vector<1x32x2048xf32>,
    %slice3A_182 = vector.extract_strided_slice %reshape3A {offsets = [13, 0], sizes = [1, 2048], strides = [1, 1]} : vector<25x2048xi32> to vector<1x2048xi32>
    %broadcast_in_dim3A_183 = vector.shape_cast %slice3A_182 : vector<1x2048xi32> to vector<1x2048xi32>
    %broadcast_in_dim3A_184 = vector.broadcast %broadcast_in_dim3A_183 : vector<1x2048xi32> to vector<72x2048xi32>
    %eq3A_185 = arith.cmpi eq, %broadcast_in_dim3A_184, %iota3A : vector<72x2048xi32>
    %convert_element_type3A_186 = arith.extui %eq3A_185 : vector<72x2048xi1> to vector<72x2048xi32>
    %convert_element_type3A_187 = arith.sitofp %convert_element_type3A_186 : vector<72x2048xi32> to vector<72x2048xf32>
    %dot_general3A_188 = arith.constant dense<0.000000e+00> : vector<32x2048xf32>
    %dot_general3A_189 = tpu.matmul %get3A_5, %convert_element_type3A_187, %dot_general3A_188 {dimension_numbers = #tpu.dot_dimension_numbers<[0], [0], [1], [1], [0, 1, 1, 1], [], []>, transpose_lhs_hint = false} : vector<72x32xf32>, vector<72x2048xf32>, vector<32x2048xf32> -> vector<32x2048xf32>
    %swap3A_190 = arith.constant 13 : index
    %swap3A_191 = arith.constant 0 : index
    %swap3A_192 = arith.constant 0 : index
    %swap3A_193 = vector.load %arg4[%swap3A_190, %swap3A_191, %swap3A_192] : memref<25x32x2048xf32, #tpu.memory_space<vmem>>, vector<1x32x2048xf32>
    %swap3A_194 = vector.shape_cast %swap3A_193 : vector<1x32x2048xf32> to vector<32x2048xf32>
    %swap3A_195 = vector.shape_cast %dot_general3A_189 : vector<32x2048xf32> to vector<1x32x2048xf32>
    tpu.vector_store %arg4[%swap3A_190, %swap3A_191, %swap3A_192], %swap3A_195 {strides = array<i32>} : memref<25x32x2048xf32, #tpu.memory_space<vmem>>, vector<1x32x2048xf32>,
    %slice3A_196 = vector.extract_strided_slice %reshape3A {offsets = [14, 0], sizes = [1, 2048], strides = [1, 1]} : vector<25x2048xi32> to vector<1x2048xi32>
    %broadcast_in_dim3A_197 = vector.shape_cast %slice3A_196 : vector<1x2048xi32> to vector<1x2048xi32>
    %broadcast_in_dim3A_198 = vector.broadcast %broadcast_in_dim3A_197 : vector<1x2048xi32> to vector<72x2048xi32>
    %eq3A_199 = arith.cmpi eq, %broadcast_in_dim3A_198, %iota3A : vector<72x2048xi32>
    %convert_element_type3A_200 = arith.extui %eq3A_199 : vector<72x2048xi1> to vector<72x2048xi32>
    %convert_element_type3A_201 = arith.sitofp %convert_element_type3A_200 : vector<72x2048xi32> to vector<72x2048xf32>
    %dot_general3A_202 = arith.constant dense<0.000000e+00> : vector<32x2048xf32>
    %dot_general3A_203 = tpu.matmul %get3A_5, %convert_element_type3A_201, %dot_general3A_202 {dimension_numbers = #tpu.dot_dimension_numbers<[0], [0], [1], [1], [0, 1, 1, 1], [], []>, transpose_lhs_hint = false} : vector<72x32xf32>, vector<72x2048xf32>, vector<32x2048xf32> -> vector<32x2048xf32>
    %swap3A_204 = arith.constant 14 : index
    %swap3A_205 = arith.constant 0 : index
    %swap3A_206 = arith.constant 0 : index
    %swap3A_207 = vector.load %arg4[%swap3A_204, %swap3A_205, %swap3A_206] : memref<25x32x2048xf32, #tpu.memory_space<vmem>>, vector<1x32x2048xf32>
    %swap3A_208 = vector.shape_cast %swap3A_207 : vector<1x32x2048xf32> to vector<32x2048xf32>
    %swap3A_209 = vector.shape_cast %dot_general3A_203 : vector<32x2048xf32> to vector<1x32x2048xf32>
    tpu.vector_store %arg4[%swap3A_204, %swap3A_205, %swap3A_206], %swap3A_209 {strides = array<i32>} : memref<25x32x2048xf32, #tpu.memory_space<vmem>>, vector<1x32x2048xf32>,
    %slice3A_210 = vector.extract_strided_slice %reshape3A {offsets = [15, 0], sizes = [1, 2048], strides = [1, 1]} : vector<25x2048xi32> to vector<1x2048xi32>
    %broadcast_in_dim3A_211 = vector.shape_cast %slice3A_210 : vector<1x2048xi32> to vector<1x2048xi32>
    %broadcast_in_dim3A_212 = vector.broadcast %broadcast_in_dim3A_211 : vector<1x2048xi32> to vector<72x2048xi32>
    %eq3A_213 = arith.cmpi eq, %broadcast_in_dim3A_212, %iota3A : vector<72x2048xi32>
    %convert_element_type3A_214 = arith.extui %eq3A_213 : vector<72x2048xi1> to vector<72x2048xi32>
    %convert_element_type3A_215 = arith.sitofp %convert_element_type3A_214 : vector<72x2048xi32> to vector<72x2048xf32>
    %dot_general3A_216 = arith.constant dense<0.000000e+00> : vector<32x2048xf32>
    %dot_general3A_217 = tpu.matmul %get3A_5, %convert_element_type3A_215, %dot_general3A_216 {dimension_numbers = #tpu.dot_dimension_numbers<[0], [0], [1], [1], [0, 1, 1, 1], [], []>, transpose_lhs_hint = false} : vector<72x32xf32>, vector<72x2048xf32>, vector<32x2048xf32> -> vector<32x2048xf32>
    %swap3A_218 = arith.constant 15 : index
    %swap3A_219 = arith.constant 0 : index
    %swap3A_220 = arith.constant 0 : index
    %swap3A_221 = vector.load %arg4[%swap3A_218, %swap3A_219, %swap3A_220] : memref<25x32x2048xf32, #tpu.memory_space<vmem>>, vector<1x32x2048xf32>
    %swap3A_222 = vector.shape_cast %swap3A_221 : vector<1x32x2048xf32> to vector<32x2048xf32>
    %swap3A_223 = vector.shape_cast %dot_general3A_217 : vector<32x2048xf32> to vector<1x32x2048xf32>
    tpu.vector_store %arg4[%swap3A_218, %swap3A_219, %swap3A_220], %swap3A_223 {strides = array<i32>} : memref<25x32x2048xf32, #tpu.memory_space<vmem>>, vector<1x32x2048xf32>,
    %slice3A_224 = vector.extract_strided_slice %reshape3A {offsets = [16, 0], sizes = [1, 2048], strides = [1, 1]} : vector<25x2048xi32> to vector<1x2048xi32>
    %broadcast_in_dim3A_225 = vector.shape_cast %slice3A_224 : vector<1x2048xi32> to vector<1x2048xi32>
    %broadcast_in_dim3A_226 = vector.broadcast %broadcast_in_dim3A_225 : vector<1x2048xi32> to vector<72x2048xi32>
    %eq3A_227 = arith.cmpi eq, %broadcast_in_dim3A_226, %iota3A : vector<72x2048xi32>
    %convert_element_type3A_228 = arith.extui %eq3A_227 : vector<72x2048xi1> to vector<72x2048xi32>
    %convert_element_type3A_229 = arith.sitofp %convert_element_type3A_228 : vector<72x2048xi32> to vector<72x2048xf32>
    %dot_general3A_230 = arith.constant dense<0.000000e+00> : vector<32x2048xf32>
    %dot_general3A_231 = tpu.matmul %get3A_5, %convert_element_type3A_229, %dot_general3A_230 {dimension_numbers = #tpu.dot_dimension_numbers<[0], [0], [1], [1], [0, 1, 1, 1], [], []>, transpose_lhs_hint = false} : vector<72x32xf32>, vector<72x2048xf32>, vector<32x2048xf32> -> vector<32x2048xf32>
    %swap3A_232 = arith.constant 16 : index
    %swap3A_233 = arith.constant 0 : index
    %swap3A_234 = arith.constant 0 : index
    %swap3A_235 = vector.load %arg4[%swap3A_232, %swap3A_233, %swap3A_234] : memref<25x32x2048xf32, #tpu.memory_space<vmem>>, vector<1x32x2048xf32>
    %swap3A_236 = vector.shape_cast %swap3A_235 : vector<1x32x2048xf32> to vector<32x2048xf32>
    %swap3A_237 = vector.shape_cast %dot_general3A_231 : vector<32x2048xf32> to vector<1x32x2048xf32>
    tpu.vector_store %arg4[%swap3A_232, %swap3A_233, %swap3A_234], %swap3A_237 {strides = array<i32>} : memref<25x32x2048xf32, #tpu.memory_space<vmem>>, vector<1x32x2048xf32>,
    %slice3A_238 = vector.extract_strided_slice %reshape3A {offsets = [17, 0], sizes = [1, 2048], strides = [1, 1]} : vector<25x2048xi32> to vector<1x2048xi32>
    %broadcast_in_dim3A_239 = vector.shape_cast %slice3A_238 : vector<1x2048xi32> to vector<1x2048xi32>
    %broadcast_in_dim3A_240 = vector.broadcast %broadcast_in_dim3A_239 : vector<1x2048xi32> to vector<72x2048xi32>
    %eq3A_241 = arith.cmpi eq, %broadcast_in_dim3A_240, %iota3A : vector<72x2048xi32>
    %convert_element_type3A_242 = arith.extui %eq3A_241 : vector<72x2048xi1> to vector<72x2048xi32>
    %convert_element_type3A_243 = arith.sitofp %convert_element_type3A_242 : vector<72x2048xi32> to vector<72x2048xf32>
    %dot_general3A_244 = arith.constant dense<0.000000e+00> : vector<32x2048xf32>
    %dot_general3A_245 = tpu.matmul %get3A_5, %convert_element_type3A_243, %dot_general3A_244 {dimension_numbers = #tpu.dot_dimension_numbers<[0], [0], [1], [1], [0, 1, 1, 1], [], []>, transpose_lhs_hint = false} : vector<72x32xf32>, vector<72x2048xf32>, vector<32x2048xf32> -> vector<32x2048xf32>
    %swap3A_246 = arith.constant 17 : index
    %swap3A_247 = arith.constant 0 : index
    %swap3A_248 = arith.constant 0 : index
    %swap3A_249 = vector.load %arg4[%swap3A_246, %swap3A_247, %swap3A_248] : memref<25x32x2048xf32, #tpu.memory_space<vmem>>, vector<1x32x2048xf32>
    %swap3A_250 = vector.shape_cast %swap3A_249 : vector<1x32x2048xf32> to vector<32x2048xf32>
    %swap3A_251 = vector.shape_cast %dot_general3A_245 : vector<32x2048xf32> to vector<1x32x2048xf32>
    tpu.vector_store %arg4[%swap3A_246, %swap3A_247, %swap3A_248], %swap3A_251 {strides = array<i32>} : memref<25x32x2048xf32, #tpu.memory_space<vmem>>, vector<1x32x2048xf32>,
    %slice3A_252 = vector.extract_strided_slice %reshape3A {offsets = [18, 0], sizes = [1, 2048], strides = [1, 1]} : vector<25x2048xi32> to vector<1x2048xi32>
    %broadcast_in_dim3A_253 = vector.shape_cast %slice3A_252 : vector<1x2048xi32> to vector<1x2048xi32>
    %broadcast_in_dim3A_254 = vector.broadcast %broadcast_in_dim3A_253 : vector<1x2048xi32> to vector<72x2048xi32>
    %eq3A_255 = arith.cmpi eq, %broadcast_in_dim3A_254, %iota3A : vector<72x2048xi32>
    %convert_element_type3A_256 = arith.extui %eq3A_255 : vector<72x2048xi1> to vector<72x2048xi32>
    %convert_element_type3A_257 = arith.sitofp %convert_element_type3A_256 : vector<72x2048xi32> to vector<72x2048xf32>
    %dot_general3A_258 = arith.constant dense<0.000000e+00> : vector<32x2048xf32>
    %dot_general3A_259 = tpu.matmul %get3A_5, %convert_element_type3A_257, %dot_general3A_258 {dimension_numbers = #tpu.dot_dimension_numbers<[0], [0], [1], [1], [0, 1, 1, 1], [], []>, transpose_lhs_hint = false} : vector<72x32xf32>, vector<72x2048xf32>, vector<32x2048xf32> -> vector<32x2048xf32>
    %swap3A_260 = arith.constant 18 : index
    %swap3A_261 = arith.constant 0 : index
    %swap3A_262 = arith.constant 0 : index
    %swap3A_263 = vector.load %arg4[%swap3A_260, %swap3A_261, %swap3A_262] : memref<25x32x2048xf32, #tpu.memory_space<vmem>>, vector<1x32x2048xf32>
    %swap3A_264 = vector.shape_cast %swap3A_263 : vector<1x32x2048xf32> to vector<32x2048xf32>
    %swap3A_265 = vector.shape_cast %dot_general3A_259 : vector<32x2048xf32> to vector<1x32x2048xf32>
    tpu.vector_store %arg4[%swap3A_260, %swap3A_261, %swap3A_262], %swap3A_265 {strides = array<i32>} : memref<25x32x2048xf32, #tpu.memory_space<vmem>>, vector<1x32x2048xf32>,
    %slice3A_266 = vector.extract_strided_slice %reshape3A {offsets = [19, 0], sizes = [1, 2048], strides = [1, 1]} : vector<25x2048xi32> to vector<1x2048xi32>
    %broadcast_in_dim3A_267 = vector.shape_cast %slice3A_266 : vector<1x2048xi32> to vector<1x2048xi32>
    %broadcast_in_dim3A_268 = vector.broadcast %broadcast_in_dim3A_267 : vector<1x2048xi32> to vector<72x2048xi32>
    %eq3A_269 = arith.cmpi eq, %broadcast_in_dim3A_268, %iota3A : vector<72x2048xi32>
    %convert_element_type3A_270 = arith.extui %eq3A_269 : vector<72x2048xi1> to vector<72x2048xi32>
    %convert_element_type3A_271 = arith.sitofp %convert_element_type3A_270 : vector<72x2048xi32> to vector<72x2048xf32>
    %dot_general3A_272 = arith.constant dense<0.000000e+00> : vector<32x2048xf32>
    %dot_general3A_273 = tpu.matmul %get3A_5, %convert_element_type3A_271, %dot_general3A_272 {dimension_numbers = #tpu.dot_dimension_numbers<[0], [0], [1], [1], [0, 1, 1, 1], [], []>, transpose_lhs_hint = false} : vector<72x32xf32>, vector<72x2048xf32>, vector<32x2048xf32> -> vector<32x2048xf32>
    %swap3A_274 = arith.constant 19 : index
    %swap3A_275 = arith.constant 0 : index
    %swap3A_276 = arith.constant 0 : index
    %swap3A_277 = vector.load %arg4[%swap3A_274, %swap3A_275, %swap3A_276] : memref<25x32x2048xf32, #tpu.memory_space<vmem>>, vector<1x32x2048xf32>
    %swap3A_278 = vector.shape_cast %swap3A_277 : vector<1x32x2048xf32> to vector<32x2048xf32>
    %swap3A_279 = vector.shape_cast %dot_general3A_273 : vector<32x2048xf32> to vector<1x32x2048xf32>
    tpu.vector_store %arg4[%swap3A_274, %swap3A_275, %swap3A_276], %swap3A_279 {strides = array<i32>} : memref<25x32x2048xf32, #tpu.memory_space<vmem>>, vector<1x32x2048xf32>,
    %slice3A_280 = vector.extract_strided_slice %reshape3A {offsets = [20, 0], sizes = [1, 2048], strides = [1, 1]} : vector<25x2048xi32> to vector<1x2048xi32>
    %broadcast_in_dim3A_281 = vector.shape_cast %slice3A_280 : vector<1x2048xi32> to vector<1x2048xi32>
    %broadcast_in_dim3A_282 = vector.broadcast %broadcast_in_dim3A_281 : vector<1x2048xi32> to vector<72x2048xi32>
    %eq3A_283 = arith.cmpi eq, %broadcast_in_dim3A_282, %iota3A : vector<72x2048xi32>
    %convert_element_type3A_284 = arith.extui %eq3A_283 : vector<72x2048xi1> to vector<72x2048xi32>
    %convert_element_type3A_285 = arith.sitofp %convert_element_type3A_284 : vector<72x2048xi32> to vector<72x2048xf32>
    %dot_general3A_286 = arith.constant dense<0.000000e+00> : vector<32x2048xf32>
    %dot_general3A_287 = tpu.matmul %get3A_5, %convert_element_type3A_285, %dot_general3A_286 {dimension_numbers = #tpu.dot_dimension_numbers<[0], [0], [1], [1], [0, 1, 1, 1], [], []>, transpose_lhs_hint = false} : vector<72x32xf32>, vector<72x2048xf32>, vector<32x2048xf32> -> vector<32x2048xf32>
    %swap3A_288 = arith.constant 20 : index
    %swap3A_289 = arith.constant 0 : index
    %swap3A_290 = arith.constant 0 : index
    %swap3A_291 = vector.load %arg4[%swap3A_288, %swap3A_289, %swap3A_290] : memref<25x32x2048xf32, #tpu.memory_space<vmem>>, vector<1x32x2048xf32>
    %swap3A_292 = vector.shape_cast %swap3A_291 : vector<1x32x2048xf32> to vector<32x2048xf32>
    %swap3A_293 = vector.shape_cast %dot_general3A_287 : vector<32x2048xf32> to vector<1x32x2048xf32>
    tpu.vector_store %arg4[%swap3A_288, %swap3A_289, %swap3A_290], %swap3A_293 {strides = array<i32>} : memref<25x32x2048xf32, #tpu.memory_space<vmem>>, vector<1x32x2048xf32>,
    %slice3A_294 = vector.extract_strided_slice %reshape3A {offsets = [21, 0], sizes = [1, 2048], strides = [1, 1]} : vector<25x2048xi32> to vector<1x2048xi32>
    %broadcast_in_dim3A_295 = vector.shape_cast %slice3A_294 : vector<1x2048xi32> to vector<1x2048xi32>
    %broadcast_in_dim3A_296 = vector.broadcast %broadcast_in_dim3A_295 : vector<1x2048xi32> to vector<72x2048xi32>
    %eq3A_297 = arith.cmpi eq, %broadcast_in_dim3A_296, %iota3A : vector<72x2048xi32>
    %convert_element_type3A_298 = arith.extui %eq3A_297 : vector<72x2048xi1> to vector<72x2048xi32>
    %convert_element_type3A_299 = arith.sitofp %convert_element_type3A_298 : vector<72x2048xi32> to vector<72x2048xf32>
    %dot_general3A_300 = arith.constant dense<0.000000e+00> : vector<32x2048xf32>
    %dot_general3A_301 = tpu.matmul %get3A_5, %convert_element_type3A_299, %dot_general3A_300 {dimension_numbers = #tpu.dot_dimension_numbers<[0], [0], [1], [1], [0, 1, 1, 1], [], []>, transpose_lhs_hint = false} : vector<72x32xf32>, vector<72x2048xf32>, vector<32x2048xf32> -> vector<32x2048xf32>
    %swap3A_302 = arith.constant 21 : index
    %swap3A_303 = arith.constant 0 : index
    %swap3A_304 = arith.constant 0 : index
    %swap3A_305 = vector.load %arg4[%swap3A_302, %swap3A_303, %swap3A_304] : memref<25x32x2048xf32, #tpu.memory_space<vmem>>, vector<1x32x2048xf32>
    %swap3A_306 = vector.shape_cast %swap3A_305 : vector<1x32x2048xf32> to vector<32x2048xf32>
    %swap3A_307 = vector.shape_cast %dot_general3A_301 : vector<32x2048xf32> to vector<1x32x2048xf32>
    tpu.vector_store %arg4[%swap3A_302, %swap3A_303, %swap3A_304], %swap3A_307 {strides = array<i32>} : memref<25x32x2048xf32, #tpu.memory_space<vmem>>, vector<1x32x2048xf32>,
    %slice3A_308 = vector.extract_strided_slice %reshape3A {offsets = [22, 0], sizes = [1, 2048], strides = [1, 1]} : vector<25x2048xi32> to vector<1x2048xi32>
    %broadcast_in_dim3A_309 = vector.shape_cast %slice3A_308 : vector<1x2048xi32> to vector<1x2048xi32>
    %broadcast_in_dim3A_310 = vector.broadcast %broadcast_in_dim3A_309 : vector<1x2048xi32> to vector<72x2048xi32>
    %eq3A_311 = arith.cmpi eq, %broadcast_in_dim3A_310, %iota3A : vector<72x2048xi32>
    %convert_element_type3A_312 = arith.extui %eq3A_311 : vector<72x2048xi1> to vector<72x2048xi32>
    %convert_element_type3A_313 = arith.sitofp %convert_element_type3A_312 : vector<72x2048xi32> to vector<72x2048xf32>
    %dot_general3A_314 = arith.constant dense<0.000000e+00> : vector<32x2048xf32>
    %dot_general3A_315 = tpu.matmul %get3A_5, %convert_element_type3A_313, %dot_general3A_314 {dimension_numbers = #tpu.dot_dimension_numbers<[0], [0], [1], [1], [0, 1, 1, 1], [], []>, transpose_lhs_hint = false} : vector<72x32xf32>, vector<72x2048xf32>, vector<32x2048xf32> -> vector<32x2048xf32>
    %swap3A_316 = arith.constant 22 : index
    %swap3A_317 = arith.constant 0 : index
    %swap3A_318 = arith.constant 0 : index
    %swap3A_319 = vector.load %arg4[%swap3A_316, %swap3A_317, %swap3A_318] : memref<25x32x2048xf32, #tpu.memory_space<vmem>>, vector<1x32x2048xf32>
    %swap3A_320 = vector.shape_cast %swap3A_319 : vector<1x32x2048xf32> to vector<32x2048xf32>
    %swap3A_321 = vector.shape_cast %dot_general3A_315 : vector<32x2048xf32> to vector<1x32x2048xf32>
    tpu.vector_store %arg4[%swap3A_316, %swap3A_317, %swap3A_318], %swap3A_321 {strides = array<i32>} : memref<25x32x2048xf32, #tpu.memory_space<vmem>>, vector<1x32x2048xf32>,
    %slice3A_322 = vector.extract_strided_slice %reshape3A {offsets = [23, 0], sizes = [1, 2048], strides = [1, 1]} : vector<25x2048xi32> to vector<1x2048xi32>
    %broadcast_in_dim3A_323 = vector.shape_cast %slice3A_322 : vector<1x2048xi32> to vector<1x2048xi32>
    %broadcast_in_dim3A_324 = vector.broadcast %broadcast_in_dim3A_323 : vector<1x2048xi32> to vector<72x2048xi32>
    %eq3A_325 = arith.cmpi eq, %broadcast_in_dim3A_324, %iota3A : vector<72x2048xi32>
    %convert_element_type3A_326 = arith.extui %eq3A_325 : vector<72x2048xi1> to vector<72x2048xi32>
    %convert_element_type3A_327 = arith.sitofp %convert_element_type3A_326 : vector<72x2048xi32> to vector<72x2048xf32>
    %dot_general3A_328 = arith.constant dense<0.000000e+00> : vector<32x2048xf32>
    %dot_general3A_329 = tpu.matmul %get3A_5, %convert_element_type3A_327, %dot_general3A_328 {dimension_numbers = #tpu.dot_dimension_numbers<[0], [0], [1], [1], [0, 1, 1, 1], [], []>, transpose_lhs_hint = false} : vector<72x32xf32>, vector<72x2048xf32>, vector<32x2048xf32> -> vector<32x2048xf32>
    %swap3A_330 = arith.constant 23 : index
    %swap3A_331 = arith.constant 0 : index
    %swap3A_332 = arith.constant 0 : index
    %swap3A_333 = vector.load %arg4[%swap3A_330, %swap3A_331, %swap3A_332] : memref<25x32x2048xf32, #tpu.memory_space<vmem>>, vector<1x32x2048xf32>
    %swap3A_334 = vector.shape_cast %swap3A_333 : vector<1x32x2048xf32> to vector<32x2048xf32>
    %swap3A_335 = vector.shape_cast %dot_general3A_329 : vector<32x2048xf32> to vector<1x32x2048xf32>
    tpu.vector_store %arg4[%swap3A_330, %swap3A_331, %swap3A_332], %swap3A_335 {strides = array<i32>} : memref<25x32x2048xf32, #tpu.memory_space<vmem>>, vector<1x32x2048xf32>,
    %slice3A_336 = vector.extract_strided_slice %reshape3A {offsets = [24, 0], sizes = [1, 2048], strides = [1, 1]} : vector<25x2048xi32> to vector<1x2048xi32>
    %broadcast_in_dim3A_337 = vector.shape_cast %slice3A_336 : vector<1x2048xi32> to vector<1x2048xi32>
    %broadcast_in_dim3A_338 = vector.broadcast %broadcast_in_dim3A_337 : vector<1x2048xi32> to vector<72x2048xi32>
    %eq3A_339 = arith.cmpi eq, %broadcast_in_dim3A_338, %iota3A : vector<72x2048xi32>
    %convert_element_type3A_340 = arith.extui %eq3A_339 : vector<72x2048xi1> to vector<72x2048xi32>
    %convert_element_type3A_341 = arith.sitofp %convert_element_type3A_340 : vector<72x2048xi32> to vector<72x2048xf32>
    %dot_general3A_342 = arith.constant dense<0.000000e+00> : vector<32x2048xf32>
    %dot_general3A_343 = tpu.matmul %get3A_5, %convert_element_type3A_341, %dot_general3A_342 {dimension_numbers = #tpu.dot_dimension_numbers<[0], [0], [1], [1], [0, 1, 1, 1], [], []>, transpose_lhs_hint = false} : vector<72x32xf32>, vector<72x2048xf32>, vector<32x2048xf32> -> vector<32x2048xf32>
    %swap3A_344 = arith.constant 24 : index
    %swap3A_345 = arith.constant 0 : index
    %swap3A_346 = arith.constant 0 : index
    %swap3A_347 = vector.load %arg4[%swap3A_344, %swap3A_345, %swap3A_346] : memref<25x32x2048xf32, #tpu.memory_space<vmem>>, vector<1x32x2048xf32>
    %swap3A_348 = vector.shape_cast %swap3A_347 : vector<1x32x2048xf32> to vector<32x2048xf32>
    %swap3A_349 = vector.shape_cast %dot_general3A_343 : vector<32x2048xf32> to vector<1x32x2048xf32>
    tpu.vector_store %arg4[%swap3A_344, %swap3A_345, %swap3A_346], %swap3A_349 {strides = array<i32>} : memref<25x32x2048xf32, #tpu.memory_space<vmem>>, vector<1x32x2048xf32>,
    return
  }
  func.func @transform_0(%arg0: i32, %arg1: i32) -> (i32, i32, i32) {
    %c0_i32 = arith.constant 0 : i32
    %c0_i32_0 = arith.constant 0 : i32
    return %arg0, %c0_i32, %arg1 : i32, i32, i32
  }
  func.func @transform_1(%arg0: i32, %arg1: i32) -> (i32, i32) {
    %c0_i32 = arith.constant 0 : i32
    %c0_i32_0 = arith.constant 0 : i32
    %c0_i32_1 = arith.constant 0 : i32
    return %c0_i32, %c0_i32_0 : i32, i32
  }
  func.func @transform_2(%arg0: i32, %arg1: i32) -> (i32, i32, i32) {
    %c0_i32 = arith.constant 0 : i32
    %c0_i32_0 = arith.constant 0 : i32
    return %arg0, %c0_i32, %arg1 : i32, i32, i32
  }
}

</mosaic_0001>

<sc_bundles>
// kernel: kernel.4.cloned.1.call-start
scs
__scs_entry_jumppad:
0x0: {  	(pc) =	sbr.rel $0x88, $3  }
0x1: {  	(tag) =	ssettag $0x0;
	lr =	simm.s32 $0x1  }
0x2: {  	[smem:$0x3F9F] =	sst lr;
	_ =	strace $0xD0000000  }
0x3: {  	_ = 	snop  }
0x4: {  	_ = 	snop  }
0x5: {  	_ = 	snop  }
0x6: {  	_ = 	snop  }
0x7: {  	_ = 	snop  }
__scs_overlays_trampoline_lowered:
0x8: {  	[smem:$0x3FAE] =	sst s0  }
0x9: {  	[smem:$0x3FAF] =	sst s1  }
0xa: {  	[smem:$0x3FB0] =	sst s2  }
0xb: {  	[smem:$0x3FB1] =	sst s3  }
0xc: {  	[smem:$0x3FB2] =	sst s4  }
0xd: {  	[smem:$0x3FB3] =	sst s5  }
0xe: {  	[smem:$0x3FB4] =	sst s6  }
0xf: {  	[smem:$0x3FB5] =	sst s7  }
0x10: {  	[smem:$0x3FB6] =	sst s8  }
0x11: {  	[smem:$0x3FB7] =	sst s9;
	s0 =	simm.s32 @!p0 $0x0  }
0x12: {  	s1 =	sld [smem:$0x3F9D];
	s0 =	simm.s32 @p0 $0x1  }
0x13: {  	[smem:$0x3FB8] =	sst s0;
	s0 =	simm.s32 @!p1 $0x0  }
0x14: {  	s2 =	sld [smem:$0x3F9C];
	s0 =	simm.s32 @p1 $0x1  }
0x15: {  	[smem:$0x3FB9] =	sst s0;
	s0 =	simm.s32 @!p2 $0x0  }
0x16: {  	s3 =	sld [smem:$0x3FDB];
	s0 =	simm.s32 @p2 $0x1  }
0x17: {  	s4 =	simm.s32 $0x1BF5;
	[smem:$0x3FBB] =	sst s0  }
0x18: {  	s0 =	sld [smem:$0x3F9E];
	_ =	swait.ge [sflag:s4], $0x0  }
0x19: {  	s7 =	sld [smem:$0x3F9F]  }
0x1a: {  	s8 =	sadd.s32 $0xFFFFE003, lr  }
0x1b: {  	s9 =	sadd.s32 $0xFFFFFEF7, lr;
	s5 =	simm.s32 $0xFFFFFFFF;
	p2 =	slt.u32 s8, $0xFFFFF086  }
0x1c: {  	p1 =	slt.u32 s9, $0xF7A;
	s5 =	simm.s32 @!p2 $0x0  }
0x1d: {  	s5 =	simm.s32 @p1 $0x1;
	p0 =	seq.s32 s7, s2  }
0x1e: {  	s7 =	smul.u32 @!p0 $0xF7A, s2;
	p2 =	seq.s32 @!p0 s5, $0x0  }
0x1f: {  	s9 =	smul.u32 $0xF7A, s1;
	s8 =	simm.s32 @!p0 $0x1BF5;
	p2 =	por !p2, p0  }
0x20: {  	[sflag:s8] =	ssyncset.s32 @!p0 $0xFFFFF086;
	s6 =	sadd.s32 @!p0 s3, s7;
	s7 =	simm.s32 @!p0 $0x108  }
0x21: {  	s3 =	sadd.s32 s3, s9;
	s6 =	sadd.s32 @!p0 $0x88, s6;
	s7 =	simm.s32 @p2 $0x1082  }
0x22: {  	[simem:s7], [sflag:s8] =	dma.local @!p0 [hbm:s6], $0xF7A  }
0x23: {  	s9 =	sor.u32 $0xD0000000, s2;
	s6 =	simm.s32 $0x108;
	_ =	swait.ge @!p0 [sflag:s8], $0x0  }
0x24: {  	s3 =	sadd.s32 $0x88, s3;
	s6 =	simm.s32 @!p1 $0x1082;
	[sflag:s4] =	ssyncset.s32 $0xFFFFF086  }
0x25: {  	[simem:s6], [sflag:s4] =	dma.local [hbm:s3], $0xF7A  }
0x26: {  	[smem:$0x3F9F] =	sst s1;
	(tag) =	ssettag s2;
	_ =	strace s9  }
0x27: {  	s1 =	sld [smem:$0x3FAF]  }
0x28: {  	s2 =	sld [smem:$0x3FB0]  }
0x29: {  	s4 =	sld [smem:$0x3FB2]  }
0x2a: {  	p0 =	seq.s32 s5, $0x0;
	s5 =	sld [smem:$0x3FB3]  }
0x2b: {  	s6 =	sld [smem:$0x3FB4]  }
0x2c: {  	s7 =	sld [smem:$0x3FB5]  }
0x2d: {  	s3 =	simm.s32 $0x108;
	s8 =	sld [smem:$0x3FB6]  }
0x2e: {  	s3 =	simm.s32 @!p0 $0x1082;
	s9 =	sld [smem:$0x3FB7]  }
0x2f: {  	lr =	sadd.s32 s0, s3;
	s0 =	sld [smem:$0x3FAE]  }
0x30: {  	s3 =	sld [smem:$0x3FB1]  }
0x31: {  	[smem:$0x3FBA] =	sst s10  }
0x32: {  	s10 =	sld [smem:$0x3FB8];
	_ =	sdelay $0x3  }
0x33: {  	p0 =	seq.s32 s10, $0x1;
	s10 =	sld [smem:$0x3FBA];
	_ =	sdelay $0x3  }
0x34: {  	[smem:$0x3FBA] =	sst s10  }
0x35: {  	s10 =	sld [smem:$0x3FB9];
	_ =	sdelay $0x3  }
0x36: {  	p1 =	seq.s32 s10, $0x1;
	s10 =	sld [smem:$0x3FBA];
	_ =	sdelay $0x3  }
0x37: {  	[smem:$0x3FBA] =	sst s10  }
0x38: {  	s10 =	sld [smem:$0x3FBB]  }
0x39: {  	_ = 	snop;
	(pc) =	sbr.ind lr, $3  }
0x3a: {  	_ = 	snop  }
0x3b: {  	_ = 	snop  }
0x3c: {  	p2 =	seq.s32 s10, $0x1;
	s10 =	sld [smem:$0x3FBA]  }
0x3d: {  	_ =	shalt  }
0x3e: {  	_ =	shalt  }
0x3f: {  	_ =	shalt  }
0x40: {  	_ =	shalt  }
0x41: {  	_ =	shalt  }
0x42: {  	_ =	shalt  }
0x43: {  	_ =	shalt  }
0x44: {  	_ =	shalt  }
0x45: {  	_ =	shalt  }
0x46: {  	_ =	shalt  }
0x47: {  	_ =	shalt  }
0x48: {  	_ =	shalt  }
0x49: {  	_ =	shalt  }
0x4a: {  	_ =	shalt  }
0x4b: {  	_ =	shalt  }
0x4c: {  	_ =	shalt  }
0x4d: {  	_ =	shalt  }
0x4e: {  	_ =	shalt  }
0x4f: {  	_ =	shalt  }
0x50: {  	_ =	shalt  }
0x51: {  	_ =	shalt  }
0x52: {  	_ =	shalt  }
0x53: {  	_ =	shalt  }
0x54: {  	_ =	shalt  }
0x55: {  	_ =	shalt  }
0x56: {  	_ =	shalt  }
0x57: {  	_ =	shalt  }
0x58: {  	_ =	shalt  }
0x59: {  	_ =	shalt  }
0x5a: {  	_ =	shalt  }
0x5b: {  	_ =	shalt  }
0x5c: {  	_ =	shalt  }
0x5d: {  	_ =	shalt  }
0x5e: {  	_ =	shalt  }
0x5f: {  	_ =	shalt  }
0x60: {  	_ =	shalt  }
0x61: {  	_ =	shalt  }
0x62: {  	_ =	shalt  }
0x63: {  	_ =	shalt  }
0x64: {  	_ =	shalt  }
0x65: {  	_ =	shalt  }
0x66: {  	_ =	shalt  }
0x67: {  	_ =	shalt  }
0x68: {  	_ =	shalt  }
0x69: {  	_ =	shalt  }
0x6a: {  	_ =	shalt  }
0x6b: {  	_ =	shalt  }
0x6c: {  	_ =	shalt  }
0x6d: {  	_ =	shalt  }
0x6e: {  	_ =	shalt  }
0x6f: {  	_ =	shalt  }
0x70: {  	_ =	shalt  }
0x71: {  	_ =	shalt  }
0x72: {  	_ =	shalt  }
0x73: {  	_ =	shalt  }
0x74: {  	_ =	shalt  }
0x75: {  	_ =	shalt  }
0x76: {  	_ =	shalt  }
0x77: {  	_ =	shalt  }
0x78: {  	_ =	shalt  }
0x79: {  	_ =	shalt  }
0x7a: {  	_ =	shalt  }
0x7b: {  	_ =	shalt  }
0x7c: {  	_ =	shalt  }
0x7d: {  	_ =	shalt  }
0x7e: {  	_ =	shalt  }
0x7f: {  	_ =	shalt  }
0x80: {  	_ =	shalt  }
0x81: {  	_ =	shalt  }
0x82: {  	_ =	shalt  }
0x83: {  	_ =	shalt  }
0x84: {  	_ =	shalt  }
0x85: {  	_ =	shalt  }
0x86: {  	_ =	shalt  }
0x87: {  	_ =	shalt  }
.Lfunc_end0:
.L_simem_size_0:
called_computation_lowered:
.L_overlay_start_0:
0x88: {  	s2 =	sld [smem:$0x3FD9]  }
0x89: {  	s3 =	sld [smem:$0x3FFE];
	_ =	sdelay $0x1  }
0x8a: {  	s1 =	srdreg.scid  }
0x8b: {  	s0 =	sand.u32 $0x1, s1  }
0x8c: {  	s17 =	sshll.u32 s0, $0xA;
	s2 =	sadd.s32 s3, s2  }
0x8d: {  	s2 =	sadd.s32 s2, s17  }
0x8e: {  	[smem:$0x3FC6] =	sst s2  }
0x8f: {  	_ = 	snop  }
0x90: {  	s2 =	sld [smem:$0x3FD0];
	(tm) =	ssettm $0x1  }
0x91: {  	s18 =	sld [smem:$0x3FFB];
	_ =	sdelay $0x3  }
0x92: {  	_ =	strace s18  }
0x93: {  	s3 =	sld [smem:$0x3FFC];
	_ =	sdelay $0x3  }
0x94: {  	_ =	strace s3  }
0x95: {  	s3 =	sld [smem:$0x3FFD];
	_ =	sdelay $0x3  }
0x96: {  	_ =	strace s3  }
0x97: {  	_ =	strace $0x8FFFFFFF  }
0x98: {  	s19 =	sld [smem:$0x3FDB];
	_ =	sdelay $0x1  }
0x99: {  	s4 =	simm.s32 $_scs_section_size  }
0x9a: {  	s5 =	simm.s32 $_size__tile_overlayer_lowered;
	s6 =	simm.s32 $_tile_overlayer_lowered  }
0x9b: {  	s22 =	simm.s32 $0x1BFF;
	s21 =	sshll.u32 s6, $0x1;
	s3 =	sadd.s32 s4, s19  }
0x9c: {  	s7 =	simm.s32 $0x0;
	s20 =	sshll.u32 s5, $0x1;
	s5 =	sadd.s32 s21, s3  }
0x9d: {  	[timem:s7], [sflag:s22] =	dma.local [hbm:s5], s20  }
0x9e: {  	_ =	swait.ge [sflag:s22], s20  }
0x9f: {  	s4 =	ssub.s32 $0x0, s20;
	[sflag:s22] =	ssyncset.done $0x0  }
0xa0: {  	[sflag:s22] =	ssyncadd.s32 s4;
	_ =	sdelay $0x1  }
0xa1: {  	s23 =	simm.s32 $0x1B8B  }
0xa2: {  	_ =	swait.ge [sflag:s23], $0x1  }
0xa3: {  	[sflag:s23] =	ssyncset.done $0x0  }
0xa4: {  	s25 =	simm.s32 $0x1B8E;
	s24 =	sld [smem:$0x3FFE];
	[sflag:s23] =	ssyncadd.s32 $0xFFFFFFFF  }
0xa5: {  	s26 =	simm.s32 $execute0_lowered;
	[smem:$0x3FD2] =	sst s25  }
0xa6: {  	s5 =	sshll.u32 s26, $0x1;
	_ =	strace $0x80000046;
	[dreg:$0x1] =	wrdreg $0xFFFFFFFF  }
0xa7: {  	s28 =	simm.s32 $_size_execute0_lowered;
	s3 =	sadd.s32 s3, s5;
	[dreg:$0x0] =	wrdreg $0x0  }
0xa8: {  	s5 =	sshll.u32 s28, $0x1;
	[dreg:$0x2] =	wrdreg s3  }
0xa9: {  	[dreg:$0x3] =	wrdreg s5  }
0xaa: {  	[dreg:$0x4] =	wrdreg $0xC0  }
0xab: {  	_ =	task [dreg:s7], $0x5FFFF  }
0xac: {  	[dreg:$0x1] =	wrdreg $0xFFFFFFFF  }
0xad: {  	[dreg:$0x0] =	wrdreg $0x60  }
0xae: {  	[dreg:$0x2] =	wrdreg s2  }
0xaf: {  	[dreg:$0x3] =	wrdreg s24  }
0xb0: {  	[dreg:$0x4] =	wrdreg $0x9  }
0xb1: {  	_ =	task.clear_ibuf [dreg:s7], $0x5FFFF;
	_ =	strace $0x90000046  }
0xb2: {  	s29 =	simm.s32 $0x9;
	_ =	strace $0x80000048  }
0xb3: {  	_ =	swait.ge [sflag:s29], $0x1  }
0xb4: {  	[sflag:s29] =	ssyncadd.s32 $0xFFFFFFFF  }
0xb5: {  	_ =	strace $0x90000048  }
0xb6: {  	_ =	sfence  }
0xb7: {  	s30 =	sld [smem:$0x0];
	_ =	sdelay $0x2  }
0xb8: {  	s31 =	sshll.u32 s1, $0xD;
	s1 =	sshrl.u32 s1, $0x2  }
0xb9: {  	s3 =	sand.u32 $0x4000, s31;
	s1 =	sadd.s32 s1, s30  }
0xba: {  	s0 =	sor.u32 s3, s0;
	s1 =	sshll.u32 s1, $0x11  }
0xbb: {  	s0 =	sor.u32 s1, s0  }
0xbc: {  	s0 =	sadd.s32 $0x8F2B, s0  }
0xbd: {  	[sflag:s0] =	ssyncadd.remote.s32 $0x1  }
0xbe: {  	_ =	sfence.sel $0xFFFF  }
0xbf: {  	[dreg:$0x0] =	wrdreg $0xFFFFFFFF;
	(pc) =	sbr.abs _section_cstart, $3  }
0xc0: {  	[dreg:$0x1] =	wrdreg $0xFFFFFFFF  }
0xc1: {  	_ =	task.clear_ibuf [dreg:s7], $0x2FFFF;
	_ =	strace $0x9FFFFFFF  }
0xc2: {  	(tm) =	ssettm $0x7FFFFFFF  }
0xc3: {  	_ =	shalt  }
tec
execute0_lowered:
.L_overlay_start_1:
0x0: {  	(tag) =	ssettag $0x1  }
0x1: {  	s1 =	rddreg [dreg:$0x0]  }
0x2: {  	s6 =	rddreg [dreg:$0x1]  }
0x3: {  	s0 =	rddreg [dreg:$0x2]  }
0x4: {  	s3 =	simm.s32 $0x0;
	s4 =	srdreg.scid;
	s2 =	stileid.u32  }
0x5: {  	s11 =	simm.s32 $0x2080;
	s12 =	simm.s32 $0x1000;
	s13 =	simm.s32 $0x0  }
0x6: {  	[smem:$0x7FF] =	sst s3;
	s7 =	sand.u32 $0x1, s4;
	s4 =	sadd.s32 $0xC00, s6  }
0x7: {  	s9 =	sshll.u32 s2, $0x1;
	s5 =	sadd.s32 $0xA00, s6;
	s8 =	ssub.s32 $0x2, s7  }
0x8: {  	s6 =	sadd.s32 $0xE00, s6;
	_ =	strace $0x80000047;
	s10 =	sshrl.u32 s8, $0x1  }
0x9: {  	s7 =	sor.u32 s7, s9;
	s9 =	simm.s32 $0x2000;
	s8 =	ssub.s32 s8, s10  }
0xa: {  	v0 =	vimm.s32 $0x0;
	s7 =	smul.u32 $0x19000, s7;
	s10 =	simm.s32 $0x1;
	s8 =	smax.u32 s8, $0x1  }
.LBB2_1:
0xb: {  	[tilespmem:s9], [sflag:$0x1] =	stream.linear.gather [hbm4b:s4+s3], $0x80, $0x38;
	[tilespmem:$0x2100] =	vst v63  }
0xc: {  	_ =	swait.ge [sflag:s10], $0x80  }
0xd: {  	[sflag:s10] =	ssyncset.done $0x0  }
0xe: {  	[sflag:s10] =	ssyncadd.s32 $0xFFFFFF80  }
0xf: {  	[tilespmem:s11], [sflag:$0x1] =	stream.linear.gather [hbm4b:s5+s3], $0x80, $0x38;
	[tilespmem:$0x2100] =	vst v63  }
0x10: {  	_ =	swait.ge [sflag:s10], $0x80  }
0x11: {  	[sflag:s10] =	ssyncset.done $0x0  }
0x12: {  	s14 =	simm.s32 $0x0;
	[sflag:s10] =	ssyncadd.s32 $0xFFFFFF80  }
.LBB2_2:
0x13: {  	s15 =	sshll.u32 s14, $0xC  }
0x14: {  	s15 =	sadd.s32 s7, s15  }
0x15: {  	s15 =	sshrl.u32 s15, $0x3  }
0x16: {  	s17 =	simm.s32 $0x0;
	s16 =	sadd.s32 s1, s15  }
0x17: {  	[tilespmem:s17], [sflag:$0x1] =	stream.linear.gather [hbm4b:s16+s17], $0x1000, $0x38;
	[tilespmem:$0x2100] =	vst v63  }
0x18: {  	_ =	swait.ge [sflag:s10], $0x1000  }
0x19: {  	[sflag:s10] =	ssyncset.done $0x0  }
0x1a: {  	s17 =	simm.s32 $0x0;
	[sflag:s10] =	ssyncadd.s32 $0xFFFFF000  }
0x1b: {  	v2 =	vld [tilespmem:s17+$0x0];
	_ =	sdelay $0x4  }
0x1c: {  	v1 =	vadd.f32 $3.150000100e+00, v2;
	_ =	sdelay $0x1  }
0x1d: {  	v1 =	vmul.f32 $1.000000000e+01, v1;
	_ =	sdelay $0x1  }
0x1e: {  	v1 =	vmax.f32 v1, $-1.000000000e+02  }
0x1f: {  	v1 =	vmin.f32 v1, $1.000000000e+02  }
0x20: {  	v1 =	vtrunc.f32 v1  }
0x21: {  	v1 =	vcvt.f32.s32 v1  }
0x22: {  	s16 =	simm.s32 $0x10  }
0x23: {  	v3 =	vadd.s32 $0x1, v1;
	v1 =	vld [tilespmem:s16+$0x0]  }
0x24: {  	vm0 =	vgt.s32 v3, $0x0  }
0x25: {  	v3 =	vnsel vm0, $0x0, v3  }
0x26: {  	v3 =	vmin.u32 v3, $0x40;
	_ =	sdelay $0x1  }
0x27: {  	v4 =	vadd.f32 $3.150000100e+00, v1;
	_ =	sdelay $0x1  }
0x28: {  	v4 =	vmul.f32 $1.000000000e+01, v4  }
0x29: {  	v5 =	vld.idx.msk [tilespmem:v3+s11+$0x0], $0xffff  }
0x2a: {  	v6 =	vld.idx.msk [tilespmem:v3+s9+$0x0], $0xffff;
	v4 =	vmax.f32 v4, $-1.000000000e+02  }
0x2b: {  	v4 =	vmin.f32 v4, $1.000000000e+02  }
0x2c: {  	v4 =	vtrunc.f32 v4  }
0x2d: {  	v4 =	vcvt.f32.s32 v4;
	_ =	sdelay $0x1  }
0x2e: {  	s18 =	simm.s32 $0x20;
	vm1 =	vge.f32 v2, v5;
	vm2 =	vlt.f32 v2, v6;
	v4 =	vadd.s32 $0x1, v4  }
0x2f: {  	s19 =	simm.s32 $0xC0;
	v2 =	vld [tilespmem:s18+$0x0];
	v5 =	vsel vm1, $0x1, v0;
	v6 =	vsel vm2, $0xFFFFFFFF, v0;
	vm0 =	vgt.s32 v4, $0x0  }
.LBB2_3:
0x30: {  	p0 =	sne.s32 s19, $0x3FC0;
	v4 =	vnsel vm0, $0x0, v4;
	v5 =	vadd.s32 v5, v6  }
0x31: {  	v5 =	vadd.s32 v3, v5;
	v3 =	vmin.u32 v4, $0x40  }
0x32: {  	vm0 =	vgt.s32 v5, $0x1  }
0x33: {  	v4 =	vnsel vm0, $0x1, v5  }
0x34: {  	v5 =	vadd.f32 $3.150000100e+00, v2;
	v4 =	vmin.u32 v4, $0x40  }
0x35: {  	[tilespmem:s17+$0x1000] =	vst v4;
	s17 =	smov.u32 s16;
	s16 =	smov.u32 s18  }
0x36: {  	v4 =	vmul.f32 $1.000000000e+01, v5;
	v5 =	vld.idx.msk [tilespmem:v3+s11+$0x0], $0xffff  }
0x37: {  	v6 =	vld.idx.msk [tilespmem:v3+s9+$0x0], $0xffff  }
0x38: {  	v4 =	vmax.f32 v4, $-1.000000000e+02  }
0x39: {  	v4 =	vmin.f32 v4, $1.000000000e+02  }
.Ltmp0:
0x3a: {  	v4 =	vtrunc.f32 v4;
	(pc) =	sbr.rel @p0 .LBB2_3-.Ltmp0, $3  }
0x3b: {  	v4 =	vcvt.f32.s32 v4;
	_ =	sdelay $0x1  }
0x3c: {  	s18 =	sshra.s32 s19, $0x2;
	vm1 =	vge.f32 v1, v5;
	vm2 =	vlt.f32 v1, v6;
	v1 =	vmovc v2;
	v4 =	vadd.s32 $0x1, v4  }
0x3d: {  	s19 =	sadd.s32 $0x40, s19;
	v5 =	vsel vm1, $0x1, v0;
	v6 =	vsel vm2, $0xFFFFFFFF, v0;
	v2 =	vld [tilespmem:s18+$0x0];
	vm0 =	vgt.s32 v4, $0x0  }
0x3e: {  	_ = 	snop  }
0x3f: {  	v4 =	vnsel vm0, $0x0, v4;
	v5 =	vadd.s32 v5, v6  }
0x40: {  	v4 =	vmin.u32 v4, $0x40;
	v3 =	vadd.s32 v3, v5  }
0x41: {  	vm10 =	vgt.s32 v3, $0x1  }
0x42: {  	v3 =	vnsel vm10, $0x1, v3;
	v59 =	vadd.f32 $3.150000100e+00, v2  }
0x43: {  	v3 =	vmin.u32 v3, $0x40  }
0x44: {  	[tilespmem:s17+$0x1000] =	vst v3;
	v3 =	vmul.f32 $1.000000000e+01, v59  }
0x45: {  	v60 =	vld.idx.msk [tilespmem:v4+s11+$0x0], $0xffff  }
0x46: {  	v61 =	vld.idx.msk [tilespmem:v4+s9+$0x0], $0xffff;
	v3 =	vmax.f32 v3, $-1.000000000e+02  }
0x47: {  	v3 =	vmin.f32 v3, $1.000000000e+02  }
0x48: {  	v3 =	vtrunc.f32 v3  }
0x49: {  	v3 =	vcvt.f32.s32 v3;
	_ =	sdelay $0x1  }
0x4a: {  	vm11 =	vge.f32 v1, v60;
	vm1 =	vlt.f32 v1, v61;
	v3 =	vadd.s32 $0x1, v3  }
0x4b: {  	v1 =	vsel vm11, $0x1, v0;
	v62 =	vsel vm1, $0xFFFFFFFF, v0;
	vm2 =	vgt.s32 v3, $0x0  }
0x4c: {  	v1 =	vadd.s32 v1, v62;
	v3 =	vnsel vm2, $0x0, v3  }
0x4d: {  	v1 =	vadd.s32 v4, v1;
	v3 =	vmin.u32 v3, $0x40  }
0x4e: {  	vm12 =	vgt.s32 v1, $0x1  }
0x4f: {  	v1 =	vnsel vm12, $0x1, v1  }
0x50: {  	v1 =	vmin.u32 v1, $0x40  }
0x51: {  	[tilespmem:s16+$0x1000] =	vst v1  }
0x52: {  	v1 =	vld.idx.msk [tilespmem:v3+s11+$0x0], $0xffff  }
0x53: {  	v63 =	vld.idx.msk [tilespmem:v3+s9+$0x0], $0xffff;
	_ =	sdelay $0x4  }
0x54: {  	vm13 =	vge.f32 v2, v1;
	vm14 =	vlt.f32 v2, v63  }
0x55: {  	v1 =	vsel vm13, $0x1, v0;
	v2 =	vsel vm14, $0xFFFFFFFF, v0  }
0x56: {  	v1 =	vadd.s32 v1, v2  }
0x57: {  	v1 =	vadd.s32 v3, v1  }
0x58: {  	vm15 =	vgt.s32 v1, $0x1  }
0x59: {  	s14 =	sadd.s32 $0x1, s14;
	v1 =	vnsel vm15, $0x1, v1  }
0x5a: {  	p0 =	sne.s32 s14, $0x19;
	v1 =	vmin.u32 v1, $0x40  }
.Ltmp1:
0x5b: {  	s15 =	sadd.s32 s6, s15;
	[tilespmem:s18+$0x1000] =	vst v1;
	(pc) =	sbr.rel @p0 .LBB2_2-.Ltmp1, $4  }
0x5c: {  	[hbm4b:s15+s3] =	stream.linear.scatter [tilespmem:s12], [sflag:$0x1], $0x1000, $0x38;
	[tilespmem:$0x2100] =	vst v63  }
0x5d: {  	_ =	swait.ge [sflag:s10], $0x1000  }
0x5e: {  	[sflag:s10] =	ssyncset.done $0x0  }
0x5f: {  	[sflag:s10] =	ssyncadd.s32 $0xFFFFF000  }
0x60: {  	s13 =	sadd.s32 $0x1, s13  }
0x61: {  	p0 =	sne.s32 s13, s8  }
.Ltmp2:
0x62: {  	_ = 	snop;
	(pc) =	sbr.rel @p0 .LBB2_1-.Ltmp2, $1  }
0x63: {  	_ =	sdelay $0x3  }
0x64: {  	_ =	sfence.sel $0x180000  }
0x65: {  	[bflag:$0x0] =	sbarrier.arrive $0xFFFF  }
0x66: {  	p0 =	sne.s32 s2, $0x0;
	_ =	strace $0x90000047  }
0x67: {  	s0 =	sadd.s32 @!p0 $0x100000, s0;
	[bflag:$0x2] =	sbarrier.arrive $0xFFFF  }
0x68: {  	[sflag:s0] =	ssyncadd.tile.s32 @!p0 $0x1;
	_ =	shalt  }
.Lfunc_end2:
_tile_overlayer_lowered:
.L_overlay_start_2:
0x69: {  	(tag) =	ssettag $0x2  }
0x6a: {  	s0 =	rddreg [dreg:$0x0];
	s2 =	stileid.u32  }
0x6b: {  	s1 =	rddreg [dreg:$0x1];
	p0 =	sne.s32 s2, $0x0  }
0x6c: {  	s3 =	rddreg [dreg:$0x2];
	[bflag:$0x3] =	sbarrier.arrive $0xFFFF;
	s2 =	simm.s32 @!p0 $0x1C01  }
0x6d: {  	[timem:s3], [sflag:s2] =	dma.local @!p0 [hbm:s0], s1  }
0x6e: {  	s0 =	simm.s32 @!p0 $0x1  }
0x6f: {  	_ =	swait.ge @!p0 [sflag:s0], s1  }
0x70: {  	s1 =	ssub.s32 @!p0 $0x0, s1;
	[sflag:s0] =	ssyncset.done @!p0 $0x0  }
0x71: {  	[sflag:s0] =	ssyncadd.s32 @!p0 s1  }
0x72: {  	[bflag:$0x3] =	sbarrier.arrive $0xFFFF  }
0x73: {  	_ =	shalt  }

</sc_bundles>
